<compile_context>
chip_gen: v7x
topology: tpu7x:2x2x1
jax: 0.10.2.dev20260603
libtpu: 0.0.44.dev20260713+nightly
codegen_flags: <defaults>
</compile_context>

<pallas_src>
import functools

import jax
import jax.numpy as jnp
from jax import lax
from jax.experimental import pallas as pl
from jax.experimental.pallas import tpu as pltpu
from jax.experimental.pallas import tpu_sc as plsc

E = 8
K = 2
D = 1024
H = 1024
N = 4096

BLK = 512
NKTOT = N * K
NBLK = NKTOT // BLK + E
S = NBLK * BLK

NC = 2
NS = 16
NW = NC * NS
TPW = N // NW
SUB = 64

CHUNK = 512


def _gate_route_body(x_ref, wg_ref, gates_ref, dest_ref, tg_ref, be_ref,
                     loss_ref, rank_ref):
    x = x_ref[...]
    logits = jnp.dot(x, wg_ref[...], preferred_element_type=jnp.float32)

    e_iota = lax.broadcasted_iota(jnp.int32, (N, E), 1).astype(jnp.float32)
    v0 = jnp.max(logits, axis=1, keepdims=True)
    eq0 = logits == v0
    i0 = jnp.min(jnp.where(eq0, e_iota, float(E)), axis=1, keepdims=True)
    oh0 = (e_iota == i0).astype(jnp.float32)
    masked = jnp.where(oh0 > 0, -jnp.inf, logits)
    v1 = jnp.max(masked, axis=1, keepdims=True)
    eq1 = masked == v1
    i1 = jnp.min(jnp.where(eq1, e_iota, float(E)), axis=1, keepdims=True)
    oh1 = (e_iota == i1).astype(jnp.float32)

    e1 = jnp.exp(v1 - v0)
    g0 = 1.0 / (1.0 + e1)
    g1 = e1 / (1.0 + e1)
    gates = oh0 * g0 + oh1 * g1
    gates_ref[...] = gates

    imp = jnp.sum(gates, axis=0, keepdims=True)
    mean = jnp.sum(imp, axis=1, keepdims=True) / E
    var = jnp.sum((imp - mean) ** 2, axis=1, keepdims=True) / (E - 1)
    loss_ref[...] = var / (mean * mean + 1e-10)

    P = oh0 + oh1
    tri = (lax.broadcasted_iota(jnp.int32, (CHUNK, CHUNK), 1)
           < lax.broadcasted_iota(jnp.int32, (CHUNK, CHUNK), 0)
           ).astype(jnp.float32)
    carry = jnp.zeros((1, E), dtype=jnp.float32)
    for c in range(N // CHUNK):
        chunk = P[c * CHUNK:(c + 1) * CHUNK, :]
        local_ex = jnp.dot(tri, chunk, preferred_element_type=jnp.float32)
        rank_ref[c * CHUNK:(c + 1) * CHUNK, :] = local_ex + carry
        carry = carry + jnp.sum(chunk, axis=0, keepdims=True)
    counts = carry

    nb = jnp.floor((counts + (BLK - 1)) / BLK)
    up8 = (lax.broadcasted_iota(jnp.int32, (E, E), 0)
           < lax.broadcasted_iota(jnp.int32, (E, E), 1)).astype(jnp.float32)
    blkstart = jnp.dot(nb, up8, preferred_element_type=jnp.float32)
    slotstart = blkstart * BLK

    rank = rank_ref[...]
    base = slotstart + rank
    dest0 = jnp.sum(oh0 * base, axis=1, keepdims=True)
    dest1 = jnp.sum(oh1 * base, axis=1, keepdims=True)
    dest_ref[...] = jnp.concatenate(
        [dest0.reshape(N // 128, 128), dest1.reshape(N // 128, 128)],
        axis=0).astype(jnp.int32)
    tg_ref[...] = jnp.concatenate(
        [g0.reshape(N // 128, 128), g1.reshape(N // 128, 128)], axis=0)

    bi = lax.broadcasted_iota(jnp.int32, (E, NBLK), 1)
    bs = jnp.broadcast_to(blkstart.astype(jnp.int32).reshape(E, 1), (E, NBLK))
    be = jnp.sum((bi >= bs).astype(jnp.int32), axis=0, keepdims=True) - 1
    nblocks_used = jnp.sum(nb, axis=1, keepdims=True).astype(jnp.int32)
    xsblk = jnp.minimum(lax.broadcasted_iota(jnp.int32, (1, NBLK), 1),
                        nblocks_used - 1)
    be_ref[...] = jnp.concatenate([be, xsblk], axis=1)


def _gate_route(x, w_gate):
    return pl.pallas_call(
        _gate_route_body,
        out_shape=(
            jax.ShapeDtypeStruct((N, E), jnp.float32),
            jax.ShapeDtypeStruct((K * N // 128, 128), jnp.int32),
            jax.ShapeDtypeStruct((K * N // 128, 128), jnp.float32),
            jax.ShapeDtypeStruct((1, 2 * NBLK), jnp.int32),
            jax.ShapeDtypeStruct((1, 1), jnp.float32),
        ),
        scratch_shapes=[pltpu.VMEM((N, E), jnp.float32)],
    )(x, w_gate)


def _sc_scatter_body(x_hbm, dest_hbm, xs_hbm, idx_v, rows_v, sem):
    wid = lax.axis_index("s") * NC + lax.axis_index("c")
    tb = wid * TPW
    nsub = TPW // SUB
    for k in range(K):
        for sub in range(nsub):
            pltpu.sync_copy(dest_hbm.at[pl.ds(k * N + tb + sub * SUB, SUB)],
                            idx_v.at[k * nsub + sub])
    for sub in range(nsub):
        pltpu.sync_copy(x_hbm.at[pl.ds(tb + sub * SUB, SUB)], rows_v)
        cp0 = pltpu.async_copy(rows_v, xs_hbm.at[idx_v.at[sub]], sem)
        cp1 = pltpu.async_copy(rows_v, xs_hbm.at[idx_v.at[nsub + sub]], sem)
        cp0.wait()
        cp1.wait()


def _sc_scatter(x, dest_flat):
    mesh = plsc.VectorSubcoreMesh(core_axis_name="c", subcore_axis_name="s")
    kfn = functools.partial(
        pl.kernel,
        mesh=mesh,
        out_type=jax.ShapeDtypeStruct((S, D), jnp.float32),
        scratch_types=[
            pltpu.VMEM((K * (TPW // SUB), SUB), jnp.int32),
            pltpu.VMEM((SUB, D), jnp.float32),
            pltpu.SemaphoreType.DMA,
        ],
    )(_sc_scatter_body)
    return kfn(x, dest_flat)


def _mlp_body(be_ref, xs_ref, w1_ref, w2_ref, bw_ref, b3_ref, sc_ref, y_ref):
    b = pl.program_id(0)

    @pl.when(be_ref[NBLK + b] == b)
    def _():
        xb = xs_ref[...]
        scale = sc_ref[0, 0, 0]
        h = jnp.dot(xb, w1_ref[0], preferred_element_type=jnp.float32)
        h = jnp.tanh(scale * h + bw_ref[0, 0:1])
        h = jnp.dot(h, w2_ref[0], preferred_element_type=jnp.float32)
        h = jnp.tanh(h + bw_ref[0, 1:2])
        y = jnp.sum(h * bw_ref[0, 2:3], axis=1, keepdims=True)
        sub = b % (1024 // BLK)
        y_ref[pl.ds(sub * (BLK // 128), BLK // 128), :] = (
            y + b3_ref[0, 0, 0]).reshape(BLK // 128, 128)


def _grouped_mlp(block_maps, xs, w1, b1, w2, b2, w3, b3, scale_coeff):
    bw = jnp.stack([b1, b2, w3.reshape(E, H)], axis=1)
    b3r = b3.reshape(E, 1, 1)
    scr = scale_coeff.reshape(E, 1, 1)
    grid_spec = pltpu.PrefetchScalarGridSpec(
        num_scalar_prefetch=1,
        grid=(NBLK,),
        in_specs=[
            pl.BlockSpec((BLK, D), lambda b, pf: (pf[NBLK + b], 0)),
            pl.BlockSpec((1, D, H), lambda b, pf: (pf[b], 0, 0)),
            pl.BlockSpec((1, H, H), lambda b, pf: (pf[b], 0, 0)),
            pl.BlockSpec((1, 3, H), lambda b, pf: (pf[b], 0, 0)),
            pl.BlockSpec((1, 1, 1), lambda b, pf: (pf[b], 0, 0)),
            pl.BlockSpec((1, 1, 1), lambda b, pf: (pf[b], 0, 0)),
        ],
        out_specs=pl.BlockSpec((8, 128), lambda b, pf: (b // (1024 // BLK), 0)),
    )
    return pl.pallas_call(
        _mlp_body,
        grid_spec=grid_spec,
        out_shape=jax.ShapeDtypeStruct((S // 128, 128), jnp.float32),
        compiler_params=pltpu.CompilerParams(
            dimension_semantics=("arbitrary",)),
    )(block_maps, xs, w1, w2, bw, b3r, scr)


def _sc_combine_body(y_hbm, dest_hbm, tg_hbm, out_hbm, y_v, idx_v, g_v, out_v):
    wid = lax.axis_index("s") * NC + lax.axis_index("c")
    tb = wid * TPW
    pltpu.sync_copy(y_hbm, y_v)
    for k in range(K):
        pltpu.sync_copy(dest_hbm.at[pl.ds(k * N + tb, TPW)], idx_v.at[k])
        pltpu.sync_copy(tg_hbm.at[pl.ds(k * N + tb, TPW)], g_v.at[k])
    for j in range(TPW // 16):
        sl = pl.ds(j * 16, 16)
        y0 = plsc.load_gather(y_v, [idx_v[0, sl]])
        y1 = plsc.load_gather(y_v, [idx_v[1, sl]])
        out_v[sl] = g_v[0, sl] * y0 + g_v[1, sl] * y1
    pltpu.sync_copy(out_v, out_hbm.at[pl.ds(tb, TPW)])


def _sc_combine(y_flat, dest_flat, tg_flat):
    mesh = plsc.VectorSubcoreMesh(core_axis_name="c", subcore_axis_name="s")
    kfn = functools.partial(
        pl.kernel,
        mesh=mesh,
        out_type=jax.ShapeDtypeStruct((N,), jnp.float32),
        scratch_types=[
            pltpu.VMEM((S,), jnp.float32),
            pltpu.VMEM((K, TPW), jnp.int32),
            pltpu.VMEM((K, TPW), jnp.float32),
            pltpu.VMEM((TPW,), jnp.float32),
        ],
        compiler_params=pltpu.CompilerParams(needs_layout_passes=False),
    )(_sc_combine_body)
    return kfn(y_flat, dest_flat, tg_flat)


def kernel(x, scale_coeff, W_gate, W1, b1, W2, b2, W3, b3):
    gates, dest, tg, be, loss = _gate_route(x, W_gate)
    dest_flat = dest.reshape(K * N)
    tg_flat = tg.reshape(K * N)
    xs = _sc_scatter(x, dest_flat)
    y = _grouped_mlp(be.reshape(K * NBLK), xs, W1, b1, W2, b2, W3, b3,
                     scale_coeff)
    out = _sc_combine(y.reshape(S), dest_flat, tg_flat)
    return (out.reshape(N, 1), loss[0, 0], gates)

# --- scband reference (transcript-rebuilt; emitter-appended) ---
"""Pipeline reference for scband-mo-e-multi-scale-77979426226519 (READ-ONLY COPY).

The authoritative reference and input builder live on the scoring server;
editing this copy changes nothing except your own understanding.
"""

import jax, jax.numpy as jnp
import numpy as np

E = 8      # num experts (len(scale_number))
K = 2      # sparse_experts (top-k)
D = 1024   # layer_set[0] input size
H = 1024   # layer_set[1] hidden width
N = 4096   # tokens (batch*seq)


def setup_inputs(seed: int = 0) -> dict:
    key = jax.random.key(seed)
    ks = jax.random.split(key, 8)
    x = jax.random.normal(ks[0], (N, D), dtype=jnp.float32)
    # multi-scale coefficients (learnable since scale_learn=True)
    scale_coeff = jnp.array([1.0, 2.0, 4.0, 8.0, 16.0, 32.0, 64.0, 128.0], dtype=jnp.float32)
    # gating network weights
    W_gate = jax.random.normal(ks[1], (D, E), dtype=jnp.float32) * 0.02
    # per-expert Single_MLP params: Linear(D,H) -> tanh -> Linear(H,H) -> tanh -> Linear(H,1)
    W1 = jax.random.normal(ks[2], (E, D, H), dtype=jnp.float32) * (1.0 / np.sqrt(D))
    b1 = jnp.zeros((E, H), dtype=jnp.float32)
    W2 = jax.random.normal(ks[3], (E, H, H), dtype=jnp.float32) * (1.0 / np.sqrt(H))
    b2 = jnp.zeros((E, H), dtype=jnp.float32)
    W3 = jax.random.normal(ks[4], (E, H, 1), dtype=jnp.float32) * (1.0 / np.sqrt(H))
    b3 = jnp.zeros((E, 1), dtype=jnp.float32)
    return {"x": x, "scale_coeff": scale_coeff, "W_gate": W_gate,
            "W1": W1, "b1": b1, "W2": W2, "b2": b2, "W3": W3, "b3": b3}


def _cv_squared(v):
    eps = 1e-10
    return jnp.var(v, ddof=1) / (jnp.mean(v) ** 2 + eps)


def reference(x, scale_coeff, W_gate, W1, b1, W2, b2, W3, b3):
    n = x.shape[0]
    # noisy-top-k style gating (noise omitted; deterministic eval path)
    logits = x @ W_gate                                   # [N, E]
    top_vals, top_idx = jax.lax.top_k(logits, K)          # [N, K]
    top_g = jax.nn.softmax(top_vals, axis=-1)             # softmax over selected experts
    gates = jnp.zeros((n, E), dtype=x.dtype).at[jnp.arange(n)[:, None], top_idx].set(top_g)
    # each expert sees its own scale of the input: expert_i(omega_i * x)
    xin = x[None, :, :] * scale_coeff[:, None, None]      # [E, N, D]
    h = jnp.tanh(jnp.einsum('end,edh->enh', xin, W1) + b1[:, None, :])
    h = jnp.tanh(jnp.einsum('enh,ehk->enk', h, W2) + b2[:, None, :])
    y_e = jnp.einsum('enh,eho->eno', h, W3) + b3[:, None, :]   # [E, N, 1]
    # sparse combine with gate weights
    out = jnp.sum(jnp.transpose(gates)[:, :, None] * y_e, axis=0)  # [N, 1]
    # load-balancing aux loss: cv^2 of importance
    importance = gates.sum(axis=0)
    loss = _cv_squared(importance)
    return (out, loss, gates)

if __name__ == "__main__":
    import jax
    _d = setup_inputs()
    print(jax.jit(kernel)(*tuple(_d.values())))

</pallas_src>

<mosaic_0001>
#map = affine_map<(d0, d1) -> (0)>
module attributes {stable_mosaic.version = 14 : i64} {
  func.func @_sc_combine_body(%arg0: i32, %arg1: i32, %arg2: memref<12288xf32, #tpu.memory_space<hbm>>, %arg3: memref<8192xi32, #tpu.memory_space<hbm>>, %arg4: memref<8192xf32, #tpu.memory_space<hbm>>, %arg5: memref<4096xf32, #tpu.memory_space<hbm>>, %arg6: memref<12288xf32, #tpu.memory_space<vmem>>, %arg7: memref<2x128xi32, #tpu.memory_space<vmem>>, %arg8: memref<2x128xf32, #tpu.memory_space<vmem>>, %arg9: memref<128xf32, #tpu.memory_space<vmem>>) attributes {dimension_semantics = [#tpu.dimension_semantics<core_parallel>, #tpu.dimension_semantics<subcore_parallel>], iteration_bounds = array<i64: 2, 16>, scalar_prefetch = 0 : i64, scratch_operands = 4 : i64, tpu.core_type = #tpu.core_type<sc_vector_subcore>, window_params = [{transform_indices = #map}, {transform_indices = #map}, {transform_indices = #map}, {transform_indices = #map}]} {
    %mul3A = arith.constant 2 : i32
    %mul3A_0 = arith.muli %arg1, %mul3A : i32
    %add3A = arith.addi %mul3A_0, %arg0 : i32
    %mul3A_1 = arith.constant 128 : i32
    %mul3A_2 = arith.muli %add3A, %mul3A_1 : i32
    "tpu.region"() ({
      %run_scoped3A_195 = tpu.sem_alloc : memref<!tpu.dma_semaphore, #tpu.memory_space<semaphore_mem>>
      tpu.enqueue_dma source(%arg2 : memref<12288xf32, #tpu.memory_space<hbm>>) target(%arg6 : memref<12288xf32, #tpu.memory_space<vmem>>) target_semaphore(%run_scoped3A_195 : memref<!tpu.dma_semaphore, #tpu.memory_space<semaphore_mem>>)
      tpu.wait_dma2 semaphore(%run_scoped3A_195 : memref<!tpu.dma_semaphore, #tpu.memory_space<semaphore_mem>>) src(%arg2 : memref<12288xf32, #tpu.memory_space<hbm>>) dst(%arg6 : memref<12288xf32, #tpu.memory_space<vmem>>)
      tpu.yield
    }) : () -> ()
    %add3A_3 = arith.constant 0 : i32
    %add3A_4 = arith.addi %add3A_3, %mul3A_2 : i32
    %run_scoped3A = arith.constant 0 : i32
    "tpu.region"() ({
      %run_scoped3A_195 = tpu.sem_alloc : memref<!tpu.dma_semaphore, #tpu.memory_space<semaphore_mem>>
      %dma_start3A = arith.constant 0 : i32
      %dma_start3A_196 = tpu.memref_slice %arg7[%run_scoped3A, %dma_start3A] : memref<2x128xi32, #tpu.memory_space<vmem>> -> memref<1x128xi32, #tpu.memory_space<vmem>>
      %dma_start3A_197 = tpu.memref_squeeze %dma_start3A_196 : memref<1x128xi32, #tpu.memory_space<vmem>> -> memref<128xi32, #tpu.memory_space<vmem>>
      %dma_start3A_198 = tpu.memref_slice %arg3[%add3A_4] : memref<8192xi32, #tpu.memory_space<hbm>> -> memref<128xi32, #tpu.memory_space<hbm>>
      %dma_start3A_199 = arith.constant 0 : i32
      %dma_start3A_200 = tpu.memref_slice %arg7[%run_scoped3A, %dma_start3A_199] : memref<2x128xi32, #tpu.memory_space<vmem>> -> memref<1x128xi32, #tpu.memory_space<vmem>>
      %dma_start3A_201 = tpu.memref_squeeze %dma_start3A_200 : memref<1x128xi32, #tpu.memory_space<vmem>> -> memref<128xi32, #tpu.memory_space<vmem>>
      %dma_start3A_202 = tpu.memref_slice %arg3[%add3A_4] : memref<8192xi32, #tpu.memory_space<hbm>> -> memref<128xi32, #tpu.memory_space<hbm>>
      tpu.enqueue_dma source(%dma_start3A_202 : memref<128xi32, #tpu.memory_space<hbm>>) target(%dma_start3A_201 : memref<128xi32, #tpu.memory_space<vmem>>) target_semaphore(%run_scoped3A_195 : memref<!tpu.dma_semaphore, #tpu.memory_space<semaphore_mem>>)
      %dma_wait3A = arith.constant 0 : i32
      %dma_wait3A_203 = tpu.memref_slice %arg7[%run_scoped3A, %dma_wait3A] : memref<2x128xi32, #tpu.memory_space<vmem>> -> memref<1x128xi32, #tpu.memory_space<vmem>>
      %dma_wait3A_204 = tpu.memref_squeeze %dma_wait3A_203 : memref<1x128xi32, #tpu.memory_space<vmem>> -> memref<128xi32, #tpu.memory_space<vmem>>
      %dma_wait3A_205 = tpu.memref_slice %arg3[%add3A_4] : memref<8192xi32, #tpu.memory_space<hbm>> -> memref<128xi32, #tpu.memory_space<hbm>>
      %dma_wait3A_206 = arith.constant 0 : i32
      %dma_wait3A_207 = tpu.memref_slice %arg7[%run_scoped3A, %dma_wait3A_206] : memref<2x128xi32, #tpu.memory_space<vmem>> -> memref<1x128xi32, #tpu.memory_space<vmem>>
      %dma_wait3A_208 = tpu.memref_squeeze %dma_wait3A_207 : memref<1x128xi32, #tpu.memory_space<vmem>> -> memref<128xi32, #tpu.memory_space<vmem>>
      %dma_wait3A_209 = tpu.memref_slice %arg3[%add3A_4] : memref<8192xi32, #tpu.memory_space<hbm>> -> memref<128xi32, #tpu.memory_space<hbm>>
      tpu.wait_dma2 semaphore(%run_scoped3A_195 : memref<!tpu.dma_semaphore, #tpu.memory_space<semaphore_mem>>) src(%dma_wait3A_209 : memref<128xi32, #tpu.memory_space<hbm>>) dst(%dma_wait3A_208 : memref<128xi32, #tpu.memory_space<vmem>>)
      tpu.yield
    }) : () -> ()
    %add3A_5 = arith.constant 0 : i32
    %add3A_6 = arith.addi %add3A_5, %mul3A_2 : i32
    %run_scoped3A_7 = arith.constant 0 : i32
    "tpu.region"() ({
      %run_scoped3A_195 = tpu.sem_alloc : memref<!tpu.dma_semaphore, #tpu.memory_space<semaphore_mem>>
      %dma_start3A = arith.constant 0 : i32
      %dma_start3A_196 = tpu.memref_slice %arg8[%run_scoped3A_7, %dma_start3A] : memref<2x128xf32, #tpu.memory_space<vmem>> -> memref<1x128xf32, #tpu.memory_space<vmem>>
      %dma_start3A_197 = tpu.memref_squeeze %dma_start3A_196 : memref<1x128xf32, #tpu.memory_space<vmem>> -> memref<128xf32, #tpu.memory_space<vmem>>
      %dma_start3A_198 = tpu.memref_slice %arg4[%add3A_6] : memref<8192xf32, #tpu.memory_space<hbm>> -> memref<128xf32, #tpu.memory_space<hbm>>
      %dma_start3A_199 = arith.constant 0 : i32
      %dma_start3A_200 = tpu.memref_slice %arg8[%run_scoped3A_7, %dma_start3A_199] : memref<2x128xf32, #tpu.memory_space<vmem>> -> memref<1x128xf32, #tpu.memory_space<vmem>>
      %dma_start3A_201 = tpu.memref_squeeze %dma_start3A_200 : memref<1x128xf32, #tpu.memory_space<vmem>> -> memref<128xf32, #tpu.memory_space<vmem>>
      %dma_start3A_202 = tpu.memref_slice %arg4[%add3A_6] : memref<8192xf32, #tpu.memory_space<hbm>> -> memref<128xf32, #tpu.memory_space<hbm>>
      tpu.enqueue_dma source(%dma_start3A_202 : memref<128xf32, #tpu.memory_space<hbm>>) target(%dma_start3A_201 : memref<128xf32, #tpu.memory_space<vmem>>) target_semaphore(%run_scoped3A_195 : memref<!tpu.dma_semaphore, #tpu.memory_space<semaphore_mem>>)
      %dma_wait3A = arith.constant 0 : i32
      %dma_wait3A_203 = tpu.memref_slice %arg8[%run_scoped3A_7, %dma_wait3A] : memref<2x128xf32, #tpu.memory_space<vmem>> -> memref<1x128xf32, #tpu.memory_space<vmem>>
      %dma_wait3A_204 = tpu.memref_squeeze %dma_wait3A_203 : memref<1x128xf32, #tpu.memory_space<vmem>> -> memref<128xf32, #tpu.memory_space<vmem>>
      %dma_wait3A_205 = tpu.memref_slice %arg4[%add3A_6] : memref<8192xf32, #tpu.memory_space<hbm>> -> memref<128xf32, #tpu.memory_space<hbm>>
      %dma_wait3A_206 = arith.constant 0 : i32
      %dma_wait3A_207 = tpu.memref_slice %arg8[%run_scoped3A_7, %dma_wait3A_206] : memref<2x128xf32, #tpu.memory_space<vmem>> -> memref<1x128xf32, #tpu.memory_space<vmem>>
      %dma_wait3A_208 = tpu.memref_squeeze %dma_wait3A_207 : memref<1x128xf32, #tpu.memory_space<vmem>> -> memref<128xf32, #tpu.memory_space<vmem>>
      %dma_wait3A_209 = tpu.memref_slice %arg4[%add3A_6] : memref<8192xf32, #tpu.memory_space<hbm>> -> memref<128xf32, #tpu.memory_space<hbm>>
      tpu.wait_dma2 semaphore(%run_scoped3A_195 : memref<!tpu.dma_semaphore, #tpu.memory_space<semaphore_mem>>) src(%dma_wait3A_209 : memref<128xf32, #tpu.memory_space<hbm>>) dst(%dma_wait3A_208 : memref<128xf32, #tpu.memory_space<vmem>>)
      tpu.yield
    }) : () -> ()
    %add3A_8 = arith.constant 4096 : i32
    %add3A_9 = arith.addi %add3A_8, %mul3A_2 : i32
    %run_scoped3A_10 = arith.constant 1 : i32
    "tpu.region"() ({
      %run_scoped3A_195 = tpu.sem_alloc : memref<!tpu.dma_semaphore, #tpu.memory_space<semaphore_mem>>
      %dma_start3A = arith.constant 0 : i32
      %dma_start3A_196 = tpu.memref_slice %arg7[%run_scoped3A_10, %dma_start3A] : memref<2x128xi32, #tpu.memory_space<vmem>> -> memref<1x128xi32, #tpu.memory_space<vmem>>
      %dma_start3A_197 = tpu.memref_squeeze %dma_start3A_196 : memref<1x128xi32, #tpu.memory_space<vmem>> -> memref<128xi32, #tpu.memory_space<vmem>>
      %dma_start3A_198 = tpu.memref_slice %arg3[%add3A_9] : memref<8192xi32, #tpu.memory_space<hbm>> -> memref<128xi32, #tpu.memory_space<hbm>>
      %dma_start3A_199 = arith.constant 0 : i32
      %dma_start3A_200 = tpu.memref_slice %arg7[%run_scoped3A_10, %dma_start3A_199] : memref<2x128xi32, #tpu.memory_space<vmem>> -> memref<1x128xi32, #tpu.memory_space<vmem>>
      %dma_start3A_201 = tpu.memref_squeeze %dma_start3A_200 : memref<1x128xi32, #tpu.memory_space<vmem>> -> memref<128xi32, #tpu.memory_space<vmem>>
      %dma_start3A_202 = tpu.memref_slice %arg3[%add3A_9] : memref<8192xi32, #tpu.memory_space<hbm>> -> memref<128xi32, #tpu.memory_space<hbm>>
      tpu.enqueue_dma source(%dma_start3A_202 : memref<128xi32, #tpu.memory_space<hbm>>) target(%dma_start3A_201 : memref<128xi32, #tpu.memory_space<vmem>>) target_semaphore(%run_scoped3A_195 : memref<!tpu.dma_semaphore, #tpu.memory_space<semaphore_mem>>)
      %dma_wait3A = arith.constant 0 : i32
      %dma_wait3A_203 = tpu.memref_slice %arg7[%run_scoped3A_10, %dma_wait3A] : memref<2x128xi32, #tpu.memory_space<vmem>> -> memref<1x128xi32, #tpu.memory_space<vmem>>
      %dma_wait3A_204 = tpu.memref_squeeze %dma_wait3A_203 : memref<1x128xi32, #tpu.memory_space<vmem>> -> memref<128xi32, #tpu.memory_space<vmem>>
      %dma_wait3A_205 = tpu.memref_slice %arg3[%add3A_9] : memref<8192xi32, #tpu.memory_space<hbm>> -> memref<128xi32, #tpu.memory_space<hbm>>
      %dma_wait3A_206 = arith.constant 0 : i32
      %dma_wait3A_207 = tpu.memref_slice %arg7[%run_scoped3A_10, %dma_wait3A_206] : memref<2x128xi32, #tpu.memory_space<vmem>> -> memref<1x128xi32, #tpu.memory_space<vmem>>
      %dma_wait3A_208 = tpu.memref_squeeze %dma_wait3A_207 : memref<1x128xi32, #tpu.memory_space<vmem>> -> memref<128xi32, #tpu.memory_space<vmem>>
      %dma_wait3A_209 = tpu.memref_slice %arg3[%add3A_9] : memref<8192xi32, #tpu.memory_space<hbm>> -> memref<128xi32, #tpu.memory_space<hbm>>
      tpu.wait_dma2 semaphore(%run_scoped3A_195 : memref<!tpu.dma_semaphore, #tpu.memory_space<semaphore_mem>>) src(%dma_wait3A_209 : memref<128xi32, #tpu.memory_space<hbm>>) dst(%dma_wait3A_208 : memref<128xi32, #tpu.memory_space<vmem>>)
      tpu.yield
    }) : () -> ()
    %add3A_11 = arith.constant 4096 : i32
    %add3A_12 = arith.addi %add3A_11, %mul3A_2 : i32
    %run_scoped3A_13 = arith.constant 1 : i32
    "tpu.region"() ({
      %run_scoped3A_195 = tpu.sem_alloc : memref<!tpu.dma_semaphore, #tpu.memory_space<semaphore_mem>>
      %dma_start3A = arith.constant 0 : i32
      %dma_start3A_196 = tpu.memref_slice %arg8[%run_scoped3A_13, %dma_start3A] : memref<2x128xf32, #tpu.memory_space<vmem>> -> memref<1x128xf32, #tpu.memory_space<vmem>>
      %dma_start3A_197 = tpu.memref_squeeze %dma_start3A_196 : memref<1x128xf32, #tpu.memory_space<vmem>> -> memref<128xf32, #tpu.memory_space<vmem>>
      %dma_start3A_198 = tpu.memref_slice %arg4[%add3A_12] : memref<8192xf32, #tpu.memory_space<hbm>> -> memref<128xf32, #tpu.memory_space<hbm>>
      %dma_start3A_199 = arith.constant 0 : i32
      %dma_start3A_200 = tpu.memref_slice %arg8[%run_scoped3A_13, %dma_start3A_199] : memref<2x128xf32, #tpu.memory_space<vmem>> -> memref<1x128xf32, #tpu.memory_space<vmem>>
      %dma_start3A_201 = tpu.memref_squeeze %dma_start3A_200 : memref<1x128xf32, #tpu.memory_space<vmem>> -> memref<128xf32, #tpu.memory_space<vmem>>
      %dma_start3A_202 = tpu.memref_slice %arg4[%add3A_12] : memref<8192xf32, #tpu.memory_space<hbm>> -> memref<128xf32, #tpu.memory_space<hbm>>
      tpu.enqueue_dma source(%dma_start3A_202 : memref<128xf32, #tpu.memory_space<hbm>>) target(%dma_start3A_201 : memref<128xf32, #tpu.memory_space<vmem>>) target_semaphore(%run_scoped3A_195 : memref<!tpu.dma_semaphore, #tpu.memory_space<semaphore_mem>>)
      %dma_wait3A = arith.constant 0 : i32
      %dma_wait3A_203 = tpu.memref_slice %arg8[%run_scoped3A_13, %dma_wait3A] : memref<2x128xf32, #tpu.memory_space<vmem>> -> memref<1x128xf32, #tpu.memory_space<vmem>>
      %dma_wait3A_204 = tpu.memref_squeeze %dma_wait3A_203 : memref<1x128xf32, #tpu.memory_space<vmem>> -> memref<128xf32, #tpu.memory_space<vmem>>
      %dma_wait3A_205 = tpu.memref_slice %arg4[%add3A_12] : memref<8192xf32, #tpu.memory_space<hbm>> -> memref<128xf32, #tpu.memory_space<hbm>>
      %dma_wait3A_206 = arith.constant 0 : i32
      %dma_wait3A_207 = tpu.memref_slice %arg8[%run_scoped3A_13, %dma_wait3A_206] : memref<2x128xf32, #tpu.memory_space<vmem>> -> memref<1x128xf32, #tpu.memory_space<vmem>>
      %dma_wait3A_208 = tpu.memref_squeeze %dma_wait3A_207 : memref<1x128xf32, #tpu.memory_space<vmem>> -> memref<128xf32, #tpu.memory_space<vmem>>
      %dma_wait3A_209 = tpu.memref_slice %arg4[%add3A_12] : memref<8192xf32, #tpu.memory_space<hbm>> -> memref<128xf32, #tpu.memory_space<hbm>>
      tpu.wait_dma2 semaphore(%run_scoped3A_195 : memref<!tpu.dma_semaphore, #tpu.memory_space<semaphore_mem>>) src(%dma_wait3A_209 : memref<128xf32, #tpu.memory_space<hbm>>) dst(%dma_wait3A_208 : memref<128xf32, #tpu.memory_space<vmem>>)
      tpu.yield
    }) : () -> ()
    %get3A = arith.constant 0 : i32
    %get3A_14 = arith.index_cast %get3A : i32 to index
    %get3A_15 = arith.constant 0 : index
    %get3A_16 = tpu.vector_load %arg7[%get3A_14, %get3A_15] {strides = array<i32>} : memref<2x128xi32, #tpu.memory_space<vmem>>, vector<16xi32>,
    %gather3A = tpu.vector_load_idx %arg6[%get3A_16] : memref<12288xf32, #tpu.memory_space<vmem>>[vector<16xi32>], vector<16xf32>,
    %get3A_17 = arith.constant 1 : i32
    %get3A_18 = arith.index_cast %get3A_17 : i32 to index
    %get3A_19 = arith.constant 0 : index
    %get3A_20 = tpu.vector_load %arg7[%get3A_18, %get3A_19] {strides = array<i32>} : memref<2x128xi32, #tpu.memory_space<vmem>>, vector<16xi32>,
    %gather3A_21 = tpu.vector_load_idx %arg6[%get3A_20] : memref<12288xf32, #tpu.memory_space<vmem>>[vector<16xi32>], vector<16xf32>,
    %get3A_22 = arith.constant 0 : i32
    %get3A_23 = arith.index_cast %get3A_22 : i32 to index
    %get3A_24 = arith.constant 0 : index
    %get3A_25 = tpu.vector_load %arg8[%get3A_23, %get3A_24] {strides = array<i32>} : memref<2x128xf32, #tpu.memory_space<vmem>>, vector<16xf32>,
    %mul3A_26 = arith.mulf %get3A_25, %gather3A : vector<16xf32>
    %get3A_27 = arith.constant 1 : i32
    %get3A_28 = arith.index_cast %get3A_27 : i32 to index
    %get3A_29 = arith.constant 0 : index
    %get3A_30 = tpu.vector_load %arg8[%get3A_28, %get3A_29] {strides = array<i32>} : memref<2x128xf32, #tpu.memory_space<vmem>>, vector<16xf32>,
    %mul3A_31 = arith.mulf %get3A_30, %gather3A_21 : vector<16xf32>
    %add3A_32 = arith.addf %mul3A_26, %mul3A_31 : vector<16xf32>
    %swap3A = arith.constant 0 : index
    %swap3A_33 = tpu.vector_load %arg9[%swap3A] {strides = array<i32>} : memref<128xf32, #tpu.memory_space<vmem>>, vector<16xf32>,
    tpu.vector_store %arg9[%swap3A], %add3A_32 {strides = array<i32>} : memref<128xf32, #tpu.memory_space<vmem>>, vector<16xf32>,
    %get3A_34 = arith.constant 0 : i32
    %get3A_35 = arith.index_cast %get3A_34 : i32 to index
    %get3A_36 = arith.constant 16 : index
    %get3A_37 = tpu.vector_load %arg7[%get3A_35, %get3A_36] {strides = array<i32>} : memref<2x128xi32, #tpu.memory_space<vmem>>, vector<16xi32>,
    %gather3A_38 = tpu.vector_load_idx %arg6[%get3A_37] : memref<12288xf32, #tpu.memory_space<vmem>>[vector<16xi32>], vector<16xf32>,
    %get3A_39 = arith.constant 1 : i32
    %get3A_40 = arith.index_cast %get3A_39 : i32 to index
    %get3A_41 = arith.constant 16 : index
    %get3A_42 = tpu.vector_load %arg7[%get3A_40, %get3A_41] {strides = array<i32>} : memref<2x128xi32, #tpu.memory_space<vmem>>, vector<16xi32>,
    %gather3A_43 = tpu.vector_load_idx %arg6[%get3A_42] : memref<12288xf32, #tpu.memory_space<vmem>>[vector<16xi32>], vector<16xf32>,
    %get3A_44 = arith.constant 0 : i32
    %get3A_45 = arith.index_cast %get3A_44 : i32 to index
    %get3A_46 = arith.constant 16 : index
    %get3A_47 = tpu.vector_load %arg8[%get3A_45, %get3A_46] {strides = array<i32>} : memref<2x128xf32, #tpu.memory_space<vmem>>, vector<16xf32>,
    %mul3A_48 = arith.mulf %get3A_47, %gather3A_38 : vector<16xf32>
    %get3A_49 = arith.constant 1 : i32
    %get3A_50 = arith.index_cast %get3A_49 : i32 to index
    %get3A_51 = arith.constant 16 : index
    %get3A_52 = tpu.vector_load %arg8[%get3A_50, %get3A_51] {strides = array<i32>} : memref<2x128xf32, #tpu.memory_space<vmem>>, vector<16xf32>,
    %mul3A_53 = arith.mulf %get3A_52, %gather3A_43 : vector<16xf32>
    %add3A_54 = arith.addf %mul3A_48, %mul3A_53 : vector<16xf32>
    %swap3A_55 = arith.constant 16 : index
    %swap3A_56 = tpu.vector_load %arg9[%swap3A_55] {strides = array<i32>} : memref<128xf32, #tpu.memory_space<vmem>>, vector<16xf32>,
    tpu.vector_store %arg9[%swap3A_55], %add3A_54 {strides = array<i32>} : memref<128xf32, #tpu.memory_space<vmem>>, vector<16xf32>,
    %get3A_57 = arith.constant 0 : i32
    %get3A_58 = arith.index_cast %get3A_57 : i32 to index
    %get3A_59 = arith.constant 32 : index
    %get3A_60 = tpu.vector_load %arg7[%get3A_58, %get3A_59] {strides = array<i32>} : memref<2x128xi32, #tpu.memory_space<vmem>>, vector<16xi32>,
    %gather3A_61 = tpu.vector_load_idx %arg6[%get3A_60] : memref<12288xf32, #tpu.memory_space<vmem>>[vector<16xi32>], vector<16xf32>,
    %get3A_62 = arith.constant 1 : i32
    %get3A_63 = arith.index_cast %get3A_62 : i32 to index
    %get3A_64 = arith.constant 32 : index
    %get3A_65 = tpu.vector_load %arg7[%get3A_63, %get3A_64] {strides = array<i32>} : memref<2x128xi32, #tpu.memory_space<vmem>>, vector<16xi32>,
    %gather3A_66 = tpu.vector_load_idx %arg6[%get3A_65] : memref<12288xf32, #tpu.memory_space<vmem>>[vector<16xi32>], vector<16xf32>,
    %get3A_67 = arith.constant 0 : i32
    %get3A_68 = arith.index_cast %get3A_67 : i32 to index
    %get3A_69 = arith.constant 32 : index
    %get3A_70 = tpu.vector_load %arg8[%get3A_68, %get3A_69] {strides = array<i32>} : memref<2x128xf32, #tpu.memory_space<vmem>>, vector<16xf32>,
    %mul3A_71 = arith.mulf %get3A_70, %gather3A_61 : vector<16xf32>
    %get3A_72 = arith.constant 1 : i32
    %get3A_73 = arith.index_cast %get3A_72 : i32 to index
    %get3A_74 = arith.constant 32 : index
    %get3A_75 = tpu.vector_load %arg8[%get3A_73, %get3A_74] {strides = array<i32>} : memref<2x128xf32, #tpu.memory_space<vmem>>, vector<16xf32>,
    %mul3A_76 = arith.mulf %get3A_75, %gather3A_66 : vector<16xf32>
    %add3A_77 = arith.addf %mul3A_71, %mul3A_76 : vector<16xf32>
    %swap3A_78 = arith.constant 32 : index
    %swap3A_79 = tpu.vector_load %arg9[%swap3A_78] {strides = array<i32>} : memref<128xf32, #tpu.memory_space<vmem>>, vector<16xf32>,
    tpu.vector_store %arg9[%swap3A_78], %add3A_77 {strides = array<i32>} : memref<128xf32, #tpu.memory_space<vmem>>, vector<16xf32>,
    %get3A_80 = arith.constant 0 : i32
    %get3A_81 = arith.index_cast %get3A_80 : i32 to index
    %get3A_82 = arith.constant 48 : index
    %get3A_83 = tpu.vector_load %arg7[%get3A_81, %get3A_82] {strides = array<i32>} : memref<2x128xi32, #tpu.memory_space<vmem>>, vector<16xi32>,
    %gather3A_84 = tpu.vector_load_idx %arg6[%get3A_83] : memref<12288xf32, #tpu.memory_space<vmem>>[vector<16xi32>], vector<16xf32>,
    %get3A_85 = arith.constant 1 : i32
    %get3A_86 = arith.index_cast %get3A_85 : i32 to index
    %get3A_87 = arith.constant 48 : index
    %get3A_88 = tpu.vector_load %arg7[%get3A_86, %get3A_87] {strides = array<i32>} : memref<2x128xi32, #tpu.memory_space<vmem>>, vector<16xi32>,
    %gather3A_89 = tpu.vector_load_idx %arg6[%get3A_88] : memref<12288xf32, #tpu.memory_space<vmem>>[vector<16xi32>], vector<16xf32>,
    %get3A_90 = arith.constant 0 : i32
    %get3A_91 = arith.index_cast %get3A_90 : i32 to index
    %get3A_92 = arith.constant 48 : index
    %get3A_93 = tpu.vector_load %arg8[%get3A_91, %get3A_92] {strides = array<i32>} : memref<2x128xf32, #tpu.memory_space<vmem>>, vector<16xf32>,
    %mul3A_94 = arith.mulf %get3A_93, %gather3A_84 : vector<16xf32>
    %get3A_95 = arith.constant 1 : i32
    %get3A_96 = arith.index_cast %get3A_95 : i32 to index
    %get3A_97 = arith.constant 48 : index
    %get3A_98 = tpu.vector_load %arg8[%get3A_96, %get3A_97] {strides = array<i32>} : memref<2x128xf32, #tpu.memory_space<vmem>>, vector<16xf32>,
    %mul3A_99 = arith.mulf %get3A_98, %gather3A_89 : vector<16xf32>
    %add3A_100 = arith.addf %mul3A_94, %mul3A_99 : vector<16xf32>
    %swap3A_101 = arith.constant 48 : index
    %swap3A_102 = tpu.vector_load %arg9[%swap3A_101] {strides = array<i32>} : memref<128xf32, #tpu.memory_space<vmem>>, vector<16xf32>,
    tpu.vector_store %arg9[%swap3A_101], %add3A_100 {strides = array<i32>} : memref<128xf32, #tpu.memory_space<vmem>>, vector<16xf32>,
    %get3A_103 = arith.constant 0 : i32
    %get3A_104 = arith.index_cast %get3A_103 : i32 to index
    %get3A_105 = arith.constant 64 : index
    %get3A_106 = tpu.vector_load %arg7[%get3A_104, %get3A_105] {strides = array<i32>} : memref<2x128xi32, #tpu.memory_space<vmem>>, vector<16xi32>,
    %gather3A_107 = tpu.vector_load_idx %arg6[%get3A_106] : memref<12288xf32, #tpu.memory_space<vmem>>[vector<16xi32>], vector<16xf32>,
    %get3A_108 = arith.constant 1 : i32
    %get3A_109 = arith.index_cast %get3A_108 : i32 to index
    %get3A_110 = arith.constant 64 : index
    %get3A_111 = tpu.vector_load %arg7[%get3A_109, %get3A_110] {strides = array<i32>} : memref<2x128xi32, #tpu.memory_space<vmem>>, vector<16xi32>,
    %gather3A_112 = tpu.vector_load_idx %arg6[%get3A_111] : memref<12288xf32, #tpu.memory_space<vmem>>[vector<16xi32>], vector<16xf32>,
    %get3A_113 = arith.constant 0 : i32
    %get3A_114 = arith.index_cast %get3A_113 : i32 to index
    %get3A_115 = arith.constant 64 : index
    %get3A_116 = tpu.vector_load %arg8[%get3A_114, %get3A_115] {strides = array<i32>} : memref<2x128xf32, #tpu.memory_space<vmem>>, vector<16xf32>,
    %mul3A_117 = arith.mulf %get3A_116, %gather3A_107 : vector<16xf32>
    %get3A_118 = arith.constant 1 : i32
    %get3A_119 = arith.index_cast %get3A_118 : i32 to index
    %get3A_120 = arith.constant 64 : index
    %get3A_121 = tpu.vector_load %arg8[%get3A_119, %get3A_120] {strides = array<i32>} : memref<2x128xf32, #tpu.memory_space<vmem>>, vector<16xf32>,
    %mul3A_122 = arith.mulf %get3A_121, %gather3A_112 : vector<16xf32>
    %add3A_123 = arith.addf %mul3A_117, %mul3A_122 : vector<16xf32>
    %swap3A_124 = arith.constant 64 : index
    %swap3A_125 = tpu.vector_load %arg9[%swap3A_124] {strides = array<i32>} : memref<128xf32, #tpu.memory_space<vmem>>, vector<16xf32>,
    tpu.vector_store %arg9[%swap3A_124], %add3A_123 {strides = array<i32>} : memref<128xf32, #tpu.memory_space<vmem>>, vector<16xf32>,
    %get3A_126 = arith.constant 0 : i32
    %get3A_127 = arith.index_cast %get3A_126 : i32 to index
    %get3A_128 = arith.constant 80 : index
    %get3A_129 = tpu.vector_load %arg7[%get3A_127, %get3A_128] {strides = array<i32>} : memref<2x128xi32, #tpu.memory_space<vmem>>, vector<16xi32>,
    %gather3A_130 = tpu.vector_load_idx %arg6[%get3A_129] : memref<12288xf32, #tpu.memory_space<vmem>>[vector<16xi32>], vector<16xf32>,
    %get3A_131 = arith.constant 1 : i32
    %get3A_132 = arith.index_cast %get3A_131 : i32 to index
    %get3A_133 = arith.constant 80 : index
    %get3A_134 = tpu.vector_load %arg7[%get3A_132, %get3A_133] {strides = array<i32>} : memref<2x128xi32, #tpu.memory_space<vmem>>, vector<16xi32>,
    %gather3A_135 = tpu.vector_load_idx %arg6[%get3A_134] : memref<12288xf32, #tpu.memory_space<vmem>>[vector<16xi32>], vector<16xf32>,
    %get3A_136 = arith.constant 0 : i32
    %get3A_137 = arith.index_cast %get3A_136 : i32 to index
    %get3A_138 = arith.constant 80 : index
    %get3A_139 = tpu.vector_load %arg8[%get3A_137, %get3A_138] {strides = array<i32>} : memref<2x128xf32, #tpu.memory_space<vmem>>, vector<16xf32>,
    %mul3A_140 = arith.mulf %get3A_139, %gather3A_130 : vector<16xf32>
    %get3A_141 = arith.constant 1 : i32
    %get3A_142 = arith.index_cast %get3A_141 : i32 to index
    %get3A_143 = arith.constant 80 : index
    %get3A_144 = tpu.vector_load %arg8[%get3A_142, %get3A_143] {strides = array<i32>} : memref<2x128xf32, #tpu.memory_space<vmem>>, vector<16xf32>,
    %mul3A_145 = arith.mulf %get3A_144, %gather3A_135 : vector<16xf32>
    %add3A_146 = arith.addf %mul3A_140, %mul3A_145 : vector<16xf32>
    %swap3A_147 = arith.constant 80 : index
    %swap3A_148 = tpu.vector_load %arg9[%swap3A_147] {strides = array<i32>} : memref<128xf32, #tpu.memory_space<vmem>>, vector<16xf32>,
    tpu.vector_store %arg9[%swap3A_147], %add3A_146 {strides = array<i32>} : memref<128xf32, #tpu.memory_space<vmem>>, vector<16xf32>,
    %get3A_149 = arith.constant 0 : i32
    %get3A_150 = arith.index_cast %get3A_149 : i32 to index
    %get3A_151 = arith.constant 96 : index
    %get3A_152 = tpu.vector_load %arg7[%get3A_150, %get3A_151] {strides = array<i32>} : memref<2x128xi32, #tpu.memory_space<vmem>>, vector<16xi32>,
    %gather3A_153 = tpu.vector_load_idx %arg6[%get3A_152] : memref<12288xf32, #tpu.memory_space<vmem>>[vector<16xi32>], vector<16xf32>,
    %get3A_154 = arith.constant 1 : i32
    %get3A_155 = arith.index_cast %get3A_154 : i32 to index
    %get3A_156 = arith.constant 96 : index
    %get3A_157 = tpu.vector_load %arg7[%get3A_155, %get3A_156] {strides = array<i32>} : memref<2x128xi32, #tpu.memory_space<vmem>>, vector<16xi32>,
    %gather3A_158 = tpu.vector_load_idx %arg6[%get3A_157] : memref<12288xf32, #tpu.memory_space<vmem>>[vector<16xi32>], vector<16xf32>,
    %get3A_159 = arith.constant 0 : i32
    %get3A_160 = arith.index_cast %get3A_159 : i32 to index
    %get3A_161 = arith.constant 96 : index
    %get3A_162 = tpu.vector_load %arg8[%get3A_160, %get3A_161] {strides = array<i32>} : memref<2x128xf32, #tpu.memory_space<vmem>>, vector<16xf32>,
    %mul3A_163 = arith.mulf %get3A_162, %gather3A_153 : vector<16xf32>
    %get3A_164 = arith.constant 1 : i32
    %get3A_165 = arith.index_cast %get3A_164 : i32 to index
    %get3A_166 = arith.constant 96 : index
    %get3A_167 = tpu.vector_load %arg8[%get3A_165, %get3A_166] {strides = array<i32>} : memref<2x128xf32, #tpu.memory_space<vmem>>, vector<16xf32>,
    %mul3A_168 = arith.mulf %get3A_167, %gather3A_158 : vector<16xf32>
    %add3A_169 = arith.addf %mul3A_163, %mul3A_168 : vector<16xf32>
    %swap3A_170 = arith.constant 96 : index
    %swap3A_171 = tpu.vector_load %arg9[%swap3A_170] {strides = array<i32>} : memref<128xf32, #tpu.memory_space<vmem>>, vector<16xf32>,
    tpu.vector_store %arg9[%swap3A_170], %add3A_169 {strides = array<i32>} : memref<128xf32, #tpu.memory_space<vmem>>, vector<16xf32>,
    %get3A_172 = arith.constant 0 : i32
    %get3A_173 = arith.index_cast %get3A_172 : i32 to index
    %get3A_174 = arith.constant 112 : index
    %get3A_175 = tpu.vector_load %arg7[%get3A_173, %get3A_174] {strides = array<i32>} : memref<2x128xi32, #tpu.memory_space<vmem>>, vector<16xi32>,
    %gather3A_176 = tpu.vector_load_idx %arg6[%get3A_175] : memref<12288xf32, #tpu.memory_space<vmem>>[vector<16xi32>], vector<16xf32>,
    %get3A_177 = arith.constant 1 : i32
    %get3A_178 = arith.index_cast %get3A_177 : i32 to index
    %get3A_179 = arith.constant 112 : index
    %get3A_180 = tpu.vector_load %arg7[%get3A_178, %get3A_179] {strides = array<i32>} : memref<2x128xi32, #tpu.memory_space<vmem>>, vector<16xi32>,
    %gather3A_181 = tpu.vector_load_idx %arg6[%get3A_180] : memref<12288xf32, #tpu.memory_space<vmem>>[vector<16xi32>], vector<16xf32>,
    %get3A_182 = arith.constant 0 : i32
    %get3A_183 = arith.index_cast %get3A_182 : i32 to index
    %get3A_184 = arith.constant 112 : index
    %get3A_185 = tpu.vector_load %arg8[%get3A_183, %get3A_184] {strides = array<i32>} : memref<2x128xf32, #tpu.memory_space<vmem>>, vector<16xf32>,
    %mul3A_186 = arith.mulf %get3A_185, %gather3A_176 : vector<16xf32>
    %get3A_187 = arith.constant 1 : i32
    %get3A_188 = arith.index_cast %get3A_187 : i32 to index
    %get3A_189 = arith.constant 112 : index
    %get3A_190 = tpu.vector_load %arg8[%get3A_188, %get3A_189] {strides = array<i32>} : memref<2x128xf32, #tpu.memory_space<vmem>>, vector<16xf32>,
    %mul3A_191 = arith.mulf %get3A_190, %gather3A_181 : vector<16xf32>
    %add3A_192 = arith.addf %mul3A_186, %mul3A_191 : vector<16xf32>
    %swap3A_193 = arith.constant 112 : index
    %swap3A_194 = tpu.vector_load %arg9[%swap3A_193] {strides = array<i32>} : memref<128xf32, #tpu.memory_space<vmem>>, vector<16xf32>,
    tpu.vector_store %arg9[%swap3A_193], %add3A_192 {strides = array<i32>} : memref<128xf32, #tpu.memory_space<vmem>>, vector<16xf32>,
    "tpu.region"() ({
      %run_scoped3A_195 = tpu.sem_alloc : memref<!tpu.dma_semaphore, #tpu.memory_space<semaphore_mem>>
      %dma_start3A = tpu.memref_slice %arg5[%mul3A_2] : memref<4096xf32, #tpu.memory_space<hbm>> -> memref<128xf32, #tpu.memory_space<hbm>>
      %dma_start3A_196 = tpu.memref_slice %arg5[%mul3A_2] : memref<4096xf32, #tpu.memory_space<hbm>> -> memref<128xf32, #tpu.memory_space<hbm>>
      tpu.enqueue_dma source(%arg9 : memref<128xf32, #tpu.memory_space<vmem>>) target(%dma_start3A_196 : memref<128xf32, #tpu.memory_space<hbm>>) target_semaphore(%run_scoped3A_195 : memref<!tpu.dma_semaphore, #tpu.memory_space<semaphore_mem>>)
      %dma_wait3A = tpu.memref_slice %arg5[%mul3A_2] : memref<4096xf32, #tpu.memory_space<hbm>> -> memref<128xf32, #tpu.memory_space<hbm>>
      %dma_wait3A_197 = tpu.memref_slice %arg5[%mul3A_2] : memref<4096xf32, #tpu.memory_space<hbm>> -> memref<128xf32, #tpu.memory_space<hbm>>
      tpu.wait_dma2 semaphore(%run_scoped3A_195 : memref<!tpu.dma_semaphore, #tpu.memory_space<semaphore_mem>>) src(%arg9 : memref<128xf32, #tpu.memory_space<vmem>>) dst(%dma_wait3A_197 : memref<128xf32, #tpu.memory_space<hbm>>)
      tpu.yield
    }) : () -> ()
    return
  }
}

#map = affine_map<(d0, d1) -> (0, 0)>
#map1 = affine_map<(d0, d1) -> (0)>
module attributes {stable_mosaic.version = 14 : i64} {
  func.func @_sc_scatter_body(%arg0: i32, %arg1: i32, %arg2: memref<4096x1024xf32, #tpu.memory_space<hbm>>, %arg3: memref<8192xi32, #tpu.memory_space<hbm>>, %arg4: memref<12288x1024xf32, #tpu.memory_space<hbm>>, %arg5: memref<4x64xi32, #tpu.memory_space<vmem>>, %arg6: memref<64x1024xf32, #tpu.memory_space<vmem>>, %arg7: memref<!tpu.dma_semaphore, #tpu.memory_space<semaphore_mem>>) attributes {dimension_semantics = [#tpu.dimension_semantics<core_parallel>, #tpu.dimension_semantics<subcore_parallel>], iteration_bounds = array<i64: 2, 16>, scalar_prefetch = 0 : i64, scratch_operands = 3 : i64, tpu.core_type = #tpu.core_type<sc_vector_subcore>, window_params = [{transform_indices = #map}, {transform_indices = #map1}, {transform_indices = #map}]} {
    %mul3A = arith.constant 2 : i32
    %mul3A_0 = arith.muli %arg1, %mul3A : i32
    %add3A = arith.addi %mul3A_0, %arg0 : i32
    %mul3A_1 = arith.constant 128 : i32
    %mul3A_2 = arith.muli %add3A, %mul3A_1 : i32
    %add3A_3 = arith.constant 0 : i32
    %add3A_4 = arith.addi %add3A_3, %mul3A_2 : i32
    %add3A_5 = arith.constant 0 : i32
    %add3A_6 = arith.addi %add3A_4, %add3A_5 : i32
    %run_scoped3A = arith.constant 0 : i32
    "tpu.region"() ({
      %run_scoped3A_80 = tpu.sem_alloc : memref<!tpu.dma_semaphore, #tpu.memory_space<semaphore_mem>>
      %dma_start3A_81 = arith.constant 0 : i32
      %dma_start3A_82 = tpu.memref_slice %arg5[%run_scoped3A, %dma_start3A_81] : memref<4x64xi32, #tpu.memory_space<vmem>> -> memref<1x64xi32, #tpu.memory_space<vmem>>
      %dma_start3A_83 = tpu.memref_squeeze %dma_start3A_82 : memref<1x64xi32, #tpu.memory_space<vmem>> -> memref<64xi32, #tpu.memory_space<vmem>>
      %dma_start3A_84 = tpu.memref_slice %arg3[%add3A_6] : memref<8192xi32, #tpu.memory_space<hbm>> -> memref<64xi32, #tpu.memory_space<hbm>>
      %dma_start3A_85 = arith.constant 0 : i32
      %dma_start3A_86 = tpu.memref_slice %arg5[%run_scoped3A, %dma_start3A_85] : memref<4x64xi32, #tpu.memory_space<vmem>> -> memref<1x64xi32, #tpu.memory_space<vmem>>
      %dma_start3A_87 = tpu.memref_squeeze %dma_start3A_86 : memref<1x64xi32, #tpu.memory_space<vmem>> -> memref<64xi32, #tpu.memory_space<vmem>>
      %dma_start3A_88 = tpu.memref_slice %arg3[%add3A_6] : memref<8192xi32, #tpu.memory_space<hbm>> -> memref<64xi32, #tpu.memory_space<hbm>>
      tpu.enqueue_dma source(%dma_start3A_88 : memref<64xi32, #tpu.memory_space<hbm>>) target(%dma_start3A_87 : memref<64xi32, #tpu.memory_space<vmem>>) target_semaphore(%run_scoped3A_80 : memref<!tpu.dma_semaphore, #tpu.memory_space<semaphore_mem>>)
      %dma_wait3A_89 = arith.constant 0 : i32
      %dma_wait3A_90 = tpu.memref_slice %arg5[%run_scoped3A, %dma_wait3A_89] : memref<4x64xi32, #tpu.memory_space<vmem>> -> memref<1x64xi32, #tpu.memory_space<vmem>>
      %dma_wait3A_91 = tpu.memref_squeeze %dma_wait3A_90 : memref<1x64xi32, #tpu.memory_space<vmem>> -> memref<64xi32, #tpu.memory_space<vmem>>
      %dma_wait3A_92 = tpu.memref_slice %arg3[%add3A_6] : memref<8192xi32, #tpu.memory_space<hbm>> -> memref<64xi32, #tpu.memory_space<hbm>>
      %dma_wait3A_93 = arith.constant 0 : i32
      %dma_wait3A_94 = tpu.memref_slice %arg5[%run_scoped3A, %dma_wait3A_93] : memref<4x64xi32, #tpu.memory_space<vmem>> -> memref<1x64xi32, #tpu.memory_space<vmem>>
      %dma_wait3A_95 = tpu.memref_squeeze %dma_wait3A_94 : memref<1x64xi32, #tpu.memory_space<vmem>> -> memref<64xi32, #tpu.memory_space<vmem>>
      %dma_wait3A_96 = tpu.memref_slice %arg3[%add3A_6] : memref<8192xi32, #tpu.memory_space<hbm>> -> memref<64xi32, #tpu.memory_space<hbm>>
      tpu.wait_dma2 semaphore(%run_scoped3A_80 : memref<!tpu.dma_semaphore, #tpu.memory_space<semaphore_mem>>) src(%dma_wait3A_96 : memref<64xi32, #tpu.memory_space<hbm>>) dst(%dma_wait3A_95 : memref<64xi32, #tpu.memory_space<vmem>>)
      tpu.yield
    }) : () -> ()
    %add3A_7 = arith.constant 0 : i32
    %add3A_8 = arith.addi %add3A_7, %mul3A_2 : i32
    %add3A_9 = arith.constant 64 : i32
    %add3A_10 = arith.addi %add3A_8, %add3A_9 : i32
    %run_scoped3A_11 = arith.constant 1 : i32
    "tpu.region"() ({
      %run_scoped3A_80 = tpu.sem_alloc : memref<!tpu.dma_semaphore, #tpu.memory_space<semaphore_mem>>
      %dma_start3A_81 = arith.constant 0 : i32
      %dma_start3A_82 = tpu.memref_slice %arg5[%run_scoped3A_11, %dma_start3A_81] : memref<4x64xi32, #tpu.memory_space<vmem>> -> memref<1x64xi32, #tpu.memory_space<vmem>>
      %dma_start3A_83 = tpu.memref_squeeze %dma_start3A_82 : memref<1x64xi32, #tpu.memory_space<vmem>> -> memref<64xi32, #tpu.memory_space<vmem>>
      %dma_start3A_84 = tpu.memref_slice %arg3[%add3A_10] : memref<8192xi32, #tpu.memory_space<hbm>> -> memref<64xi32, #tpu.memory_space<hbm>>
      %dma_start3A_85 = arith.constant 0 : i32
      %dma_start3A_86 = tpu.memref_slice %arg5[%run_scoped3A_11, %dma_start3A_85] : memref<4x64xi32, #tpu.memory_space<vmem>> -> memref<1x64xi32, #tpu.memory_space<vmem>>
      %dma_start3A_87 = tpu.memref_squeeze %dma_start3A_86 : memref<1x64xi32, #tpu.memory_space<vmem>> -> memref<64xi32, #tpu.memory_space<vmem>>
      %dma_start3A_88 = tpu.memref_slice %arg3[%add3A_10] : memref<8192xi32, #tpu.memory_space<hbm>> -> memref<64xi32, #tpu.memory_space<hbm>>
      tpu.enqueue_dma source(%dma_start3A_88 : memref<64xi32, #tpu.memory_space<hbm>>) target(%dma_start3A_87 : memref<64xi32, #tpu.memory_space<vmem>>) target_semaphore(%run_scoped3A_80 : memref<!tpu.dma_semaphore, #tpu.memory_space<semaphore_mem>>)
      %dma_wait3A_89 = arith.constant 0 : i32
      %dma_wait3A_90 = tpu.memref_slice %arg5[%run_scoped3A_11, %dma_wait3A_89] : memref<4x64xi32, #tpu.memory_space<vmem>> -> memref<1x64xi32, #tpu.memory_space<vmem>>
      %dma_wait3A_91 = tpu.memref_squeeze %dma_wait3A_90 : memref<1x64xi32, #tpu.memory_space<vmem>> -> memref<64xi32, #tpu.memory_space<vmem>>
      %dma_wait3A_92 = tpu.memref_slice %arg3[%add3A_10] : memref<8192xi32, #tpu.memory_space<hbm>> -> memref<64xi32, #tpu.memory_space<hbm>>
      %dma_wait3A_93 = arith.constant 0 : i32
      %dma_wait3A_94 = tpu.memref_slice %arg5[%run_scoped3A_11, %dma_wait3A_93] : memref<4x64xi32, #tpu.memory_space<vmem>> -> memref<1x64xi32, #tpu.memory_space<vmem>>
      %dma_wait3A_95 = tpu.memref_squeeze %dma_wait3A_94 : memref<1x64xi32, #tpu.memory_space<vmem>> -> memref<64xi32, #tpu.memory_space<vmem>>
      %dma_wait3A_96 = tpu.memref_slice %arg3[%add3A_10] : memref<8192xi32, #tpu.memory_space<hbm>> -> memref<64xi32, #tpu.memory_space<hbm>>
      tpu.wait_dma2 semaphore(%run_scoped3A_80 : memref<!tpu.dma_semaphore, #tpu.memory_space<semaphore_mem>>) src(%dma_wait3A_96 : memref<64xi32, #tpu.memory_space<hbm>>) dst(%dma_wait3A_95 : memref<64xi32, #tpu.memory_space<vmem>>)
      tpu.yield
    }) : () -> ()
    %add3A_12 = arith.constant 4096 : i32
    %add3A_13 = arith.addi %add3A_12, %mul3A_2 : i32
    %add3A_14 = arith.constant 0 : i32
    %add3A_15 = arith.addi %add3A_13, %add3A_14 : i32
    %run_scoped3A_16 = arith.constant 2 : i32
    "tpu.region"() ({
      %run_scoped3A_80 = tpu.sem_alloc : memref<!tpu.dma_semaphore, #tpu.memory_space<semaphore_mem>>
      %dma_start3A_81 = arith.constant 0 : i32
      %dma_start3A_82 = tpu.memref_slice %arg5[%run_scoped3A_16, %dma_start3A_81] : memref<4x64xi32, #tpu.memory_space<vmem>> -> memref<1x64xi32, #tpu.memory_space<vmem>>
      %dma_start3A_83 = tpu.memref_squeeze %dma_start3A_82 : memref<1x64xi32, #tpu.memory_space<vmem>> -> memref<64xi32, #tpu.memory_space<vmem>>
      %dma_start3A_84 = tpu.memref_slice %arg3[%add3A_15] : memref<8192xi32, #tpu.memory_space<hbm>> -> memref<64xi32, #tpu.memory_space<hbm>>
      %dma_start3A_85 = arith.constant 0 : i32
      %dma_start3A_86 = tpu.memref_slice %arg5[%run_scoped3A_16, %dma_start3A_85] : memref<4x64xi32, #tpu.memory_space<vmem>> -> memref<1x64xi32, #tpu.memory_space<vmem>>
      %dma_start3A_87 = tpu.memref_squeeze %dma_start3A_86 : memref<1x64xi32, #tpu.memory_space<vmem>> -> memref<64xi32, #tpu.memory_space<vmem>>
      %dma_start3A_88 = tpu.memref_slice %arg3[%add3A_15] : memref<8192xi32, #tpu.memory_space<hbm>> -> memref<64xi32, #tpu.memory_space<hbm>>
      tpu.enqueue_dma source(%dma_start3A_88 : memref<64xi32, #tpu.memory_space<hbm>>) target(%dma_start3A_87 : memref<64xi32, #tpu.memory_space<vmem>>) target_semaphore(%run_scoped3A_80 : memref<!tpu.dma_semaphore, #tpu.memory_space<semaphore_mem>>)
      %dma_wait3A_89 = arith.constant 0 : i32
      %dma_wait3A_90 = tpu.memref_slice %arg5[%run_scoped3A_16, %dma_wait3A_89] : memref<4x64xi32, #tpu.memory_space<vmem>> -> memref<1x64xi32, #tpu.memory_space<vmem>>
      %dma_wait3A_91 = tpu.memref_squeeze %dma_wait3A_90 : memref<1x64xi32, #tpu.memory_space<vmem>> -> memref<64xi32, #tpu.memory_space<vmem>>
      %dma_wait3A_92 = tpu.memref_slice %arg3[%add3A_15] : memref<8192xi32, #tpu.memory_space<hbm>> -> memref<64xi32, #tpu.memory_space<hbm>>
      %dma_wait3A_93 = arith.constant 0 : i32
      %dma_wait3A_94 = tpu.memref_slice %arg5[%run_scoped3A_16, %dma_wait3A_93] : memref<4x64xi32, #tpu.memory_space<vmem>> -> memref<1x64xi32, #tpu.memory_space<vmem>>
      %dma_wait3A_95 = tpu.memref_squeeze %dma_wait3A_94 : memref<1x64xi32, #tpu.memory_space<vmem>> -> memref<64xi32, #tpu.memory_space<vmem>>
      %dma_wait3A_96 = tpu.memref_slice %arg3[%add3A_15] : memref<8192xi32, #tpu.memory_space<hbm>> -> memref<64xi32, #tpu.memory_space<hbm>>
      tpu.wait_dma2 semaphore(%run_scoped3A_80 : memref<!tpu.dma_semaphore, #tpu.memory_space<semaphore_mem>>) src(%dma_wait3A_96 : memref<64xi32, #tpu.memory_space<hbm>>) dst(%dma_wait3A_95 : memref<64xi32, #tpu.memory_space<vmem>>)
      tpu.yield
    }) : () -> ()
    %add3A_17 = arith.constant 4096 : i32
    %add3A_18 = arith.addi %add3A_17, %mul3A_2 : i32
    %add3A_19 = arith.constant 64 : i32
    %add3A_20 = arith.addi %add3A_18, %add3A_19 : i32
    %run_scoped3A_21 = arith.constant 3 : i32
    "tpu.region"() ({
      %run_scoped3A_80 = tpu.sem_alloc : memref<!tpu.dma_semaphore, #tpu.memory_space<semaphore_mem>>
      %dma_start3A_81 = arith.constant 0 : i32
      %dma_start3A_82 = tpu.memref_slice %arg5[%run_scoped3A_21, %dma_start3A_81] : memref<4x64xi32, #tpu.memory_space<vmem>> -> memref<1x64xi32, #tpu.memory_space<vmem>>
      %dma_start3A_83 = tpu.memref_squeeze %dma_start3A_82 : memref<1x64xi32, #tpu.memory_space<vmem>> -> memref<64xi32, #tpu.memory_space<vmem>>
      %dma_start3A_84 = tpu.memref_slice %arg3[%add3A_20] : memref<8192xi32, #tpu.memory_space<hbm>> -> memref<64xi32, #tpu.memory_space<hbm>>
      %dma_start3A_85 = arith.constant 0 : i32
      %dma_start3A_86 = tpu.memref_slice %arg5[%run_scoped3A_21, %dma_start3A_85] : memref<4x64xi32, #tpu.memory_space<vmem>> -> memref<1x64xi32, #tpu.memory_space<vmem>>
      %dma_start3A_87 = tpu.memref_squeeze %dma_start3A_86 : memref<1x64xi32, #tpu.memory_space<vmem>> -> memref<64xi32, #tpu.memory_space<vmem>>
      %dma_start3A_88 = tpu.memref_slice %arg3[%add3A_20] : memref<8192xi32, #tpu.memory_space<hbm>> -> memref<64xi32, #tpu.memory_space<hbm>>
      tpu.enqueue_dma source(%dma_start3A_88 : memref<64xi32, #tpu.memory_space<hbm>>) target(%dma_start3A_87 : memref<64xi32, #tpu.memory_space<vmem>>) target_semaphore(%run_scoped3A_80 : memref<!tpu.dma_semaphore, #tpu.memory_space<semaphore_mem>>)
      %dma_wait3A_89 = arith.constant 0 : i32
      %dma_wait3A_90 = tpu.memref_slice %arg5[%run_scoped3A_21, %dma_wait3A_89] : memref<4x64xi32, #tpu.memory_space<vmem>> -> memref<1x64xi32, #tpu.memory_space<vmem>>
      %dma_wait3A_91 = tpu.memref_squeeze %dma_wait3A_90 : memref<1x64xi32, #tpu.memory_space<vmem>> -> memref<64xi32, #tpu.memory_space<vmem>>
      %dma_wait3A_92 = tpu.memref_slice %arg3[%add3A_20] : memref<8192xi32, #tpu.memory_space<hbm>> -> memref<64xi32, #tpu.memory_space<hbm>>
      %dma_wait3A_93 = arith.constant 0 : i32
      %dma_wait3A_94 = tpu.memref_slice %arg5[%run_scoped3A_21, %dma_wait3A_93] : memref<4x64xi32, #tpu.memory_space<vmem>> -> memref<1x64xi32, #tpu.memory_space<vmem>>
      %dma_wait3A_95 = tpu.memref_squeeze %dma_wait3A_94 : memref<1x64xi32, #tpu.memory_space<vmem>> -> memref<64xi32, #tpu.memory_space<vmem>>
      %dma_wait3A_96 = tpu.memref_slice %arg3[%add3A_20] : memref<8192xi32, #tpu.memory_space<hbm>> -> memref<64xi32, #tpu.memory_space<hbm>>
      tpu.wait_dma2 semaphore(%run_scoped3A_80 : memref<!tpu.dma_semaphore, #tpu.memory_space<semaphore_mem>>) src(%dma_wait3A_96 : memref<64xi32, #tpu.memory_space<hbm>>) dst(%dma_wait3A_95 : memref<64xi32, #tpu.memory_space<vmem>>)
      tpu.yield
    }) : () -> ()
    %add3A_22 = arith.constant 0 : i32
    %add3A_23 = arith.addi %mul3A_2, %add3A_22 : i32
    "tpu.region"() ({
      %run_scoped3A_80 = tpu.sem_alloc : memref<!tpu.dma_semaphore, #tpu.memory_space<semaphore_mem>>
      %dma_start3A_81 = arith.constant 0 : i32
      %dma_start3A_82 = tpu.memref_slice %arg2[%add3A_23, %dma_start3A_81] : memref<4096x1024xf32, #tpu.memory_space<hbm>> -> memref<64x1024xf32, #tpu.memory_space<hbm>>
      %dma_start3A_83 = arith.constant 0 : i32
      %dma_start3A_84 = tpu.memref_slice %arg2[%add3A_23, %dma_start3A_83] : memref<4096x1024xf32, #tpu.memory_space<hbm>> -> memref<64x1024xf32, #tpu.memory_space<hbm>>
      tpu.enqueue_dma source(%dma_start3A_84 : memref<64x1024xf32, #tpu.memory_space<hbm>>) target(%arg6 : memref<64x1024xf32, #tpu.memory_space<vmem>>) target_semaphore(%run_scoped3A_80 : memref<!tpu.dma_semaphore, #tpu.memory_space<semaphore_mem>>)
      %dma_wait3A_85 = arith.constant 0 : i32
      %dma_wait3A_86 = tpu.memref_slice %arg2[%add3A_23, %dma_wait3A_85] : memref<4096x1024xf32, #tpu.memory_space<hbm>> -> memref<64x1024xf32, #tpu.memory_space<hbm>>
      %dma_wait3A_87 = arith.constant 0 : i32
      %dma_wait3A_88 = tpu.memref_slice %arg2[%add3A_23, %dma_wait3A_87] : memref<4096x1024xf32, #tpu.memory_space<hbm>> -> memref<64x1024xf32, #tpu.memory_space<hbm>>
      tpu.wait_dma2 semaphore(%run_scoped3A_80 : memref<!tpu.dma_semaphore, #tpu.memory_space<semaphore_mem>>) src(%dma_wait3A_88 : memref<64x1024xf32, #tpu.memory_space<hbm>>) dst(%arg6 : memref<64x1024xf32, #tpu.memory_space<vmem>>)
      tpu.yield
    }) : () -> ()
    %dma_start3A = arith.constant 0 : i32
    %dma_start3A_24 = arith.constant 0 : i32
    %dma_start3A_25 = tpu.memref_slice %arg5[%dma_start3A, %dma_start3A_24] : memref<4x64xi32, #tpu.memory_space<vmem>> -> memref<1x64xi32, #tpu.memory_space<vmem>>
    %dma_start3A_26 = tpu.memref_squeeze %dma_start3A_25 : memref<1x64xi32, #tpu.memory_space<vmem>> -> memref<64xi32, #tpu.memory_space<vmem>>
    %dma_start3A_27 = arith.constant 0 : i32
    %dma_start3A_28 = arith.constant 0 : i32
    %dma_start3A_29 = tpu.memref_slice %arg4[%dma_start3A_27, %dma_start3A_28] : memref<12288x1024xf32, #tpu.memory_space<hbm>> -> memref<12288x1024xf32, #tpu.memory_space<hbm>>
    tpu.enqueue_indirect_dma source(%arg6 : memref<64x1024xf32, #tpu.memory_space<vmem>>) target(%dma_start3A_29 : memref<12288x1024xf32, #tpu.memory_space<hbm>>) offsets(%dma_start3A_26 : memref<64xi32, #tpu.memory_space<vmem>>) semaphore(%arg7 : memref<!tpu.dma_semaphore, #tpu.memory_space<semaphore_mem>>)
    %dma_start3A_30 = arith.constant 2 : i32
    %dma_start3A_31 = arith.constant 0 : i32
    %dma_start3A_32 = tpu.memref_slice %arg5[%dma_start3A_30, %dma_start3A_31] : memref<4x64xi32, #tpu.memory_space<vmem>> -> memref<1x64xi32, #tpu.memory_space<vmem>>
    %dma_start3A_33 = tpu.memref_squeeze %dma_start3A_32 : memref<1x64xi32, #tpu.memory_space<vmem>> -> memref<64xi32, #tpu.memory_space<vmem>>
    %dma_start3A_34 = arith.constant 0 : i32
    %dma_start3A_35 = arith.constant 0 : i32
    %dma_start3A_36 = tpu.memref_slice %arg4[%dma_start3A_34, %dma_start3A_35] : memref<12288x1024xf32, #tpu.memory_space<hbm>> -> memref<12288x1024xf32, #tpu.memory_space<hbm>>
    tpu.enqueue_indirect_dma source(%arg6 : memref<64x1024xf32, #tpu.memory_space<vmem>>) target(%dma_start3A_36 : memref<12288x1024xf32, #tpu.memory_space<hbm>>) offsets(%dma_start3A_33 : memref<64xi32, #tpu.memory_space<vmem>>) semaphore(%arg7 : memref<!tpu.dma_semaphore, #tpu.memory_space<semaphore_mem>>)
    %dma_wait3A = arith.constant 0 : i32
    %dma_wait3A_37 = arith.constant 0 : i32
    %dma_wait3A_38 = tpu.memref_slice %arg5[%dma_wait3A, %dma_wait3A_37] : memref<4x64xi32, #tpu.memory_space<vmem>> -> memref<1x64xi32, #tpu.memory_space<vmem>>
    %dma_wait3A_39 = tpu.memref_squeeze %dma_wait3A_38 : memref<1x64xi32, #tpu.memory_space<vmem>> -> memref<64xi32, #tpu.memory_space<vmem>>
    %dma_wait3A_40 = arith.constant 0 : i32
    %dma_wait3A_41 = arith.constant 0 : i32
    %dma_wait3A_42 = tpu.memref_slice %arg4[%dma_wait3A_40, %dma_wait3A_41] : memref<12288x1024xf32, #tpu.memory_space<hbm>> -> memref<12288x1024xf32, #tpu.memory_space<hbm>>
    tpu.wait_indirect_dma semaphore(%arg7 : memref<!tpu.dma_semaphore, #tpu.memory_space<semaphore_mem>>) src(%arg6 : memref<64x1024xf32, #tpu.memory_space<vmem>>) dst(%dma_wait3A_42 : memref<12288x1024xf32, #tpu.memory_space<hbm>>)
    %dma_wait3A_43 = arith.constant 2 : i32
    %dma_wait3A_44 = arith.constant 0 : i32
    %dma_wait3A_45 = tpu.memref_slice %arg5[%dma_wait3A_43, %dma_wait3A_44] : memref<4x64xi32, #tpu.memory_space<vmem>> -> memref<1x64xi32, #tpu.memory_space<vmem>>
    %dma_wait3A_46 = tpu.memref_squeeze %dma_wait3A_45 : memref<1x64xi32, #tpu.memory_space<vmem>> -> memref<64xi32, #tpu.memory_space<vmem>>
    %dma_wait3A_47 = arith.constant 0 : i32
    %dma_wait3A_48 = arith.constant 0 : i32
    %dma_wait3A_49 = tpu.memref_slice %arg4[%dma_wait3A_47, %dma_wait3A_48] : memref<12288x1024xf32, #tpu.memory_space<hbm>> -> memref<12288x1024xf32, #tpu.memory_space<hbm>>
    tpu.wait_indirect_dma semaphore(%arg7 : memref<!tpu.dma_semaphore, #tpu.memory_space<semaphore_mem>>) src(%arg6 : memref<64x1024xf32, #tpu.memory_space<vmem>>) dst(%dma_wait3A_49 : memref<12288x1024xf32, #tpu.memory_space<hbm>>)
    %add3A_50 = arith.constant 64 : i32
    %add3A_51 = arith.addi %mul3A_2, %add3A_50 : i32
    "tpu.region"() ({
      %run_scoped3A_80 = tpu.sem_alloc : memref<!tpu.dma_semaphore, #tpu.memory_space<semaphore_mem>>
      %dma_start3A_81 = arith.constant 0 : i32
      %dma_start3A_82 = tpu.memref_slice %arg2[%add3A_51, %dma_start3A_81] : memref<4096x1024xf32, #tpu.memory_space<hbm>> -> memref<64x1024xf32, #tpu.memory_space<hbm>>
      %dma_start3A_83 = arith.constant 0 : i32
      %dma_start3A_84 = tpu.memref_slice %arg2[%add3A_51, %dma_start3A_83] : memref<4096x1024xf32, #tpu.memory_space<hbm>> -> memref<64x1024xf32, #tpu.memory_space<hbm>>
      tpu.enqueue_dma source(%dma_start3A_84 : memref<64x1024xf32, #tpu.memory_space<hbm>>) target(%arg6 : memref<64x1024xf32, #tpu.memory_space<vmem>>) target_semaphore(%run_scoped3A_80 : memref<!tpu.dma_semaphore, #tpu.memory_space<semaphore_mem>>)
      %dma_wait3A_85 = arith.constant 0 : i32
      %dma_wait3A_86 = tpu.memref_slice %arg2[%add3A_51, %dma_wait3A_85] : memref<4096x1024xf32, #tpu.memory_space<hbm>> -> memref<64x1024xf32, #tpu.memory_space<hbm>>
      %dma_wait3A_87 = arith.constant 0 : i32
      %dma_wait3A_88 = tpu.memref_slice %arg2[%add3A_51, %dma_wait3A_87] : memref<4096x1024xf32, #tpu.memory_space<hbm>> -> memref<64x1024xf32, #tpu.memory_space<hbm>>
      tpu.wait_dma2 semaphore(%run_scoped3A_80 : memref<!tpu.dma_semaphore, #tpu.memory_space<semaphore_mem>>) src(%dma_wait3A_88 : memref<64x1024xf32, #tpu.memory_space<hbm>>) dst(%arg6 : memref<64x1024xf32, #tpu.memory_space<vmem>>)
      tpu.yield
    }) : () -> ()
    %dma_start3A_52 = arith.constant 1 : i32
    %dma_start3A_53 = arith.constant 0 : i32
    %dma_start3A_54 = tpu.memref_slice %arg5[%dma_start3A_52, %dma_start3A_53] : memref<4x64xi32, #tpu.memory_space<vmem>> -> memref<1x64xi32, #tpu.memory_space<vmem>>
    %dma_start3A_55 = tpu.memref_squeeze %dma_start3A_54 : memref<1x64xi32, #tpu.memory_space<vmem>> -> memref<64xi32, #tpu.memory_space<vmem>>
    %dma_start3A_56 = arith.constant 0 : i32
    %dma_start3A_57 = arith.constant 0 : i32
    %dma_start3A_58 = tpu.memref_slice %arg4[%dma_start3A_56, %dma_start3A_57] : memref<12288x1024xf32, #tpu.memory_space<hbm>> -> memref<12288x1024xf32, #tpu.memory_space<hbm>>
    tpu.enqueue_indirect_dma source(%arg6 : memref<64x1024xf32, #tpu.memory_space<vmem>>) target(%dma_start3A_58 : memref<12288x1024xf32, #tpu.memory_space<hbm>>) offsets(%dma_start3A_55 : memref<64xi32, #tpu.memory_space<vmem>>) semaphore(%arg7 : memref<!tpu.dma_semaphore, #tpu.memory_space<semaphore_mem>>)
    %dma_start3A_59 = arith.constant 3 : i32
    %dma_start3A_60 = arith.constant 0 : i32
    %dma_start3A_61 = tpu.memref_slice %arg5[%dma_start3A_59, %dma_start3A_60] : memref<4x64xi32, #tpu.memory_space<vmem>> -> memref<1x64xi32, #tpu.memory_space<vmem>>
    %dma_start3A_62 = tpu.memref_squeeze %dma_start3A_61 : memref<1x64xi32, #tpu.memory_space<vmem>> -> memref<64xi32, #tpu.memory_space<vmem>>
    %dma_start3A_63 = arith.constant 0 : i32
    %dma_start3A_64 = arith.constant 0 : i32
    %dma_start3A_65 = tpu.memref_slice %arg4[%dma_start3A_63, %dma_start3A_64] : memref<12288x1024xf32, #tpu.memory_space<hbm>> -> memref<12288x1024xf32, #tpu.memory_space<hbm>>
    tpu.enqueue_indirect_dma source(%arg6 : memref<64x1024xf32, #tpu.memory_space<vmem>>) target(%dma_start3A_65 : memref<12288x1024xf32, #tpu.memory_space<hbm>>) offsets(%dma_start3A_62 : memref<64xi32, #tpu.memory_space<vmem>>) semaphore(%arg7 : memref<!tpu.dma_semaphore, #tpu.memory_space<semaphore_mem>>)
    %dma_wait3A_66 = arith.constant 1 : i32
    %dma_wait3A_67 = arith.constant 0 : i32
    %dma_wait3A_68 = tpu.memref_slice %arg5[%dma_wait3A_66, %dma_wait3A_67] : memref<4x64xi32, #tpu.memory_space<vmem>> -> memref<1x64xi32, #tpu.memory_space<vmem>>
    %dma_wait3A_69 = tpu.memref_squeeze %dma_wait3A_68 : memref<1x64xi32, #tpu.memory_space<vmem>> -> memref<64xi32, #tpu.memory_space<vmem>>
    %dma_wait3A_70 = arith.constant 0 : i32
    %dma_wait3A_71 = arith.constant 0 : i32
    %dma_wait3A_72 = tpu.memref_slice %arg4[%dma_wait3A_70, %dma_wait3A_71] : memref<12288x1024xf32, #tpu.memory_space<hbm>> -> memref<12288x1024xf32, #tpu.memory_space<hbm>>
    tpu.wait_indirect_dma semaphore(%arg7 : memref<!tpu.dma_semaphore, #tpu.memory_space<semaphore_mem>>) src(%arg6 : memref<64x1024xf32, #tpu.memory_space<vmem>>) dst(%dma_wait3A_72 : memref<12288x1024xf32, #tpu.memory_space<hbm>>)
    %dma_wait3A_73 = arith.constant 3 : i32
    %dma_wait3A_74 = arith.constant 0 : i32
    %dma_wait3A_75 = tpu.memref_slice %arg5[%dma_wait3A_73, %dma_wait3A_74] : memref<4x64xi32, #tpu.memory_space<vmem>> -> memref<1x64xi32, #tpu.memory_space<vmem>>
    %dma_wait3A_76 = tpu.memref_squeeze %dma_wait3A_75 : memref<1x64xi32, #tpu.memory_space<vmem>> -> memref<64xi32, #tpu.memory_space<vmem>>
    %dma_wait3A_77 = arith.constant 0 : i32
    %dma_wait3A_78 = arith.constant 0 : i32
    %dma_wait3A_79 = tpu.memref_slice %arg4[%dma_wait3A_77, %dma_wait3A_78] : memref<12288x1024xf32, #tpu.memory_space<hbm>> -> memref<12288x1024xf32, #tpu.memory_space<hbm>>
    tpu.wait_indirect_dma semaphore(%arg7 : memref<!tpu.dma_semaphore, #tpu.memory_space<semaphore_mem>>) src(%arg6 : memref<64x1024xf32, #tpu.memory_space<vmem>>) dst(%dma_wait3A_79 : memref<12288x1024xf32, #tpu.memory_space<hbm>>)
    return
  }
}

module attributes {stable_mosaic.version = 14 : i64} {
  func.func @_mlp_body(%arg0: i32, %arg1: memref<48xi32, #tpu.memory_space<smem>>, %arg2: memref<512x1024xf32, #tpu.memory_space<vmem>>, %arg3: memref<1x1024x1024xf32, #tpu.memory_space<vmem>>, %arg4: memref<1x1024x1024xf32, #tpu.memory_space<vmem>>, %arg5: memref<1x3x1024xf32, #tpu.memory_space<vmem>>, %arg6: memref<1x1x1xf32, #tpu.memory_space<vmem>>, %arg7: memref<1x1x1xf32, #tpu.memory_space<vmem>>, %arg8: memref<8x128xf32, #tpu.memory_space<vmem>>) attributes {dimension_semantics = [#tpu.dimension_semantics<arbitrary>], iteration_bounds = array<i64: 24>, scalar_prefetch = 1 : i64, scratch_operands = 0 : i64, tpu.core_type = #tpu.core_type<tc>, window_params = [{transform_indices = @transform_0, window_bounds = array<i64: 512, 1024>}, {transform_indices = @transform_1, window_bounds = array<i64: 1, 1024, 1024>}, {transform_indices = @transform_2, window_bounds = array<i64: 1, 1024, 1024>}, {transform_indices = @transform_3, window_bounds = array<i64: 1, 3, 1024>}, {transform_indices = @transform_4, window_bounds = array<i64: 1, 1, 1>}, {transform_indices = @transform_5, window_bounds = array<i64: 1, 1, 1>}, {transform_indices = @transform_6, window_bounds = array<i64: 8, 128>}]} {
    %add3A = arith.constant 24 : i32
    %add3A_0 = arith.addi %add3A, %arg0 : i32
    %get3A = arith.index_cast %add3A_0 : i32 to index
    %get3A_1 = memref.load %arg1[%get3A] : memref<48xi32, #tpu.memory_space<smem>>
    %eq3A = arith.cmpi eq, %get3A_1, %arg0 : i32
    %convert_element_type3A = arith.extui %eq3A : i1 to i32
    %cond3A = arith.constant 0 : i32
    %cond3A_2 = arith.cmpi ne, %convert_element_type3A, %cond3A : i32
    scf.if %cond3A_2 {
      %get3A_3 = arith.constant 0 : index
      %get3A_4 = arith.constant 0 : index
      %get3A_5 = vector.load %arg2[%get3A_3, %get3A_4] : memref<512x1024xf32, #tpu.memory_space<vmem>>, vector<512x1024xf32>
      %get3A_6 = arith.constant 0 : index
      %get3A_7 = arith.constant 0 : index
      %get3A_8 = arith.constant 0 : index
      %get3A_9 = vector.load %arg7[%get3A_6, %get3A_7, %get3A_8] : memref<1x1x1xf32, #tpu.memory_space<vmem>>, vector<1x1x1xf32>
      %get3A_10 = vector.extract %get3A_9[0, 0, 0] : f32 from vector<1x1x1xf32>
      %get3A_11 = arith.constant 0 : index
      %get3A_12 = arith.constant 0 : index
      %get3A_13 = arith.constant 0 : index
      %get3A_14 = vector.load %arg3[%get3A_11, %get3A_12, %get3A_13] : memref<1x1024x1024xf32, #tpu.memory_space<vmem>>, vector<1x1024x1024xf32>
      %get3A_15 = vector.shape_cast %get3A_14 : vector<1x1024x1024xf32> to vector<1024x1024xf32>
      %dot_general3A = arith.constant dense<0.000000e+00> : vector<512x1024xf32>
      %dot_general3A_16 = tpu.matmul %get3A_5, %get3A_15, %dot_general3A {dimension_numbers = #tpu.dot_dimension_numbers<[1], [0], [0], [1], [0, 0, 1, 1], [], []>, transpose_lhs_hint = false} : vector<512x1024xf32>, vector<1024x1024xf32>, vector<512x1024xf32> -> vector<512x1024xf32>
      %mul3A = vector.broadcast %get3A_10 : f32 to vector<512x1024xf32>
      %mul3A_17 = arith.mulf %mul3A, %dot_general3A_16 : vector<512x1024xf32>
      %get3A_18 = arith.constant 0 : index
      %get3A_19 = arith.constant 0 : index
      %get3A_20 = arith.constant 0 : index
      %get3A_21 = vector.load %arg5[%get3A_18, %get3A_19, %get3A_20] : memref<1x3x1024xf32, #tpu.memory_space<vmem>>, vector<1x1x1024xf32>
      %get3A_22 = vector.shape_cast %get3A_21 : vector<1x1x1024xf32> to vector<1x1024xf32>
      %add3A_23 = vector.broadcast %get3A_22 : vector<1x1024xf32> to vector<512x1024xf32>
      %add3A_24 = arith.addf %mul3A_17, %add3A_23 : vector<512x1024xf32>
      %tanh3A = math.tanh %add3A_24 : vector<512x1024xf32>
      %get3A_25 = arith.constant 0 : index
      %get3A_26 = arith.constant 0 : index
      %get3A_27 = arith.constant 0 : index
      %get3A_28 = vector.load %arg4[%get3A_25, %get3A_26, %get3A_27] : memref<1x1024x1024xf32, #tpu.memory_space<vmem>>, vector<1x1024x1024xf32>
      %get3A_29 = vector.shape_cast %get3A_28 : vector<1x1024x1024xf32> to vector<1024x1024xf32>
      %dot_general3A_30 = arith.constant dense<0.000000e+00> : vector<512x1024xf32>
      %dot_general3A_31 = tpu.matmul %tanh3A, %get3A_29, %dot_general3A_30 {dimension_numbers = #tpu.dot_dimension_numbers<[1], [0], [0], [1], [0, 0, 1, 1], [], []>, transpose_lhs_hint = false} : vector<512x1024xf32>, vector<1024x1024xf32>, vector<512x1024xf32> -> vector<512x1024xf32>
      %get3A_32 = arith.constant 0 : index
      %get3A_33 = arith.constant 1 : index
      %get3A_34 = arith.constant 0 : index
      %get3A_35 = vector.load %arg5[%get3A_32, %get3A_33, %get3A_34] : memref<1x3x1024xf32, #tpu.memory_space<vmem>>, vector<1x1x1024xf32>
      %get3A_36 = vector.shape_cast %get3A_35 : vector<1x1x1024xf32> to vector<1x1024xf32>
      %add3A_37 = vector.broadcast %get3A_36 : vector<1x1024xf32> to vector<512x1024xf32>
      %add3A_38 = arith.addf %dot_general3A_31, %add3A_37 : vector<512x1024xf32>
      %tanh3A_39 = math.tanh %add3A_38 : vector<512x1024xf32>
      %get3A_40 = arith.constant 0 : index
      %get3A_41 = arith.constant 2 : index
      %get3A_42 = arith.constant 0 : index
      %get3A_43 = vector.load %arg5[%get3A_40, %get3A_41, %get3A_42] : memref<1x3x1024xf32, #tpu.memory_space<vmem>>, vector<1x1x1024xf32>
      %get3A_44 = vector.shape_cast %get3A_43 : vector<1x1x1024xf32> to vector<1x1024xf32>
      %mul3A_45 = vector.broadcast %get3A_44 : vector<1x1024xf32> to vector<512x1024xf32>
      %mul3A_46 = arith.mulf %tanh3A_39, %mul3A_45 : vector<512x1024xf32>
      %reduce_sum3A = arith.constant dense<0.000000e+00> : vector<512xf32>
      %reduce_sum3A_47 = vector.multi_reduction <add>, %mul3A_46, %reduce_sum3A [1] : vector<512x1024xf32> to vector<512xf32>
      %broadcast_in_dim3A = vector.shape_cast %reduce_sum3A_47 : vector<512xf32> to vector<512x1xf32>
      %jit3A = arith.constant 2 : i32
      %eq3A_48 = arith.constant 0 : i32
      %eq3A_49 = arith.cmpi eq, %jit3A, %eq3A_48 : i32
      %jit3A_50 = arith.constant 1 : i32
      %select_n3A = arith.select %eq3A_49, %jit3A_50, %jit3A : i32
      %rem3A = arith.remsi %arg0, %select_n3A : i32
      %ne3A = arith.constant 0 : i32
      %ne3A_51 = arith.cmpi ne, %rem3A, %ne3A : i32
      %lt3A = arith.constant 0 : i32
      %lt3A_52 = arith.cmpi slt, %rem3A, %lt3A : i32
      %lt3A_53 = arith.constant 0 : i32
      %lt3A_54 = arith.cmpi slt, %select_n3A, %lt3A_53 : i32
      %ne3A_55 = arith.xori %lt3A_52, %lt3A_54 : i1
      %and3A = arith.andi %ne3A_55, %ne3A_51 : i1
      %add3A_56 = arith.addi %rem3A, %select_n3A : i32
      %select_n3A_57 = arith.select %and3A, %add3A_56, %rem3A : i32
      %get3A_58 = arith.constant 0 : index
      %get3A_59 = arith.constant 0 : index
      %get3A_60 = arith.constant 0 : index
      %get3A_61 = vector.load %arg6[%get3A_58, %get3A_59, %get3A_60] : memref<1x1x1xf32, #tpu.memory_space<vmem>>, vector<1x1x1xf32>
      %get3A_62 = vector.extract %get3A_61[0, 0, 0] : f32 from vector<1x1x1xf32>
      %add3A_63 = vector.broadcast %get3A_62 : f32 to vector<512x1xf32>
      %add3A_64 = arith.addf %broadcast_in_dim3A, %add3A_63 : vector<512x1xf32>
      %reshape3A = vector.shape_cast %add3A_64 : vector<512x1xf32> to vector<4x128xf32>
      %mul3A_65 = arith.constant 4 : i32
      %mul3A_66 = arith.muli %select_n3A_57, %mul3A_65 : i32
      %swap3A = arith.index_cast %mul3A_66 : i32 to index
      %swap3A_67 = arith.constant 0 : index
      %swap3A_68 = vector.load %arg8[%swap3A, %swap3A_67] : memref<8x128xf32, #tpu.memory_space<vmem>>, vector<4x128xf32>
      tpu.vector_store %arg8[%swap3A, %swap3A_67], %reshape3A {strides = array<i32>} : memref<8x128xf32, #tpu.memory_space<vmem>>, vector<4x128xf32>,
    } else {
    }
    return
  }
  func.func @transform_0(%arg0: i32, %arg1: memref<48xi32, #tpu.memory_space<smem>>) -> (i32, i32) {
    %add3A = arith.constant 24 : i32
    %add3A_0 = arith.addi %add3A, %arg0 : i32
    %get3A = arith.index_cast %add3A_0 : i32 to index
    %get3A_1 = memref.load %arg1[%get3A] : memref<48xi32, #tpu.memory_space<smem>>
    %c0_i32 = arith.constant 0 : i32
    %c0_i32_2 = arith.constant 0 : i32
    return %get3A_1, %c0_i32 : i32, i32
  }
  func.func @transform_1(%arg0: i32, %arg1: memref<48xi32, #tpu.memory_space<smem>>) -> (i32, i32, i32) {
    %get3A = arith.index_cast %arg0 : i32 to index
    %get3A_0 = memref.load %arg1[%get3A] : memref<48xi32, #tpu.memory_space<smem>>
    %c0_i32 = arith.constant 0 : i32
    %c0_i32_1 = arith.constant 0 : i32
    %c0_i32_2 = arith.constant 0 : i32
    return %get3A_0, %c0_i32, %c0_i32_1 : i32, i32, i32
  }
  func.func @transform_2(%arg0: i32, %arg1: memref<48xi32, #tpu.memory_space<smem>>) -> (i32, i32, i32) {
    %get3A = arith.index_cast %arg0 : i32 to index
    %get3A_0 = memref.load %arg1[%get3A] : memref<48xi32, #tpu.memory_space<smem>>
    %c0_i32 = arith.constant 0 : i32
    %c0_i32_1 = arith.constant 0 : i32
    %c0_i32_2 = arith.constant 0 : i32
    return %get3A_0, %c0_i32, %c0_i32_1 : i32, i32, i32
  }
  func.func @transform_3(%arg0: i32, %arg1: memref<48xi32, #tpu.memory_space<smem>>) -> (i32, i32, i32) {
    %get3A = arith.index_cast %arg0 : i32 to index
    %get3A_0 = memref.load %arg1[%get3A] : memref<48xi32, #tpu.memory_space<smem>>
    %c0_i32 = arith.constant 0 : i32
    %c0_i32_1 = arith.constant 0 : i32
    %c0_i32_2 = arith.constant 0 : i32
    return %get3A_0, %c0_i32, %c0_i32_1 : i32, i32, i32
  }
  func.func @transform_4(%arg0: i32, %arg1: memref<48xi32, #tpu.memory_space<smem>>) -> (i32, i32, i32) {
    %get3A = arith.index_cast %arg0 : i32 to index
    %get3A_0 = memref.load %arg1[%get3A] : memref<48xi32, #tpu.memory_space<smem>>
    %c0_i32 = arith.constant 0 : i32
    %c0_i32_1 = arith.constant 0 : i32
    %c0_i32_2 = arith.constant 0 : i32
    return %get3A_0, %c0_i32, %c0_i32_1 : i32, i32, i32
  }
  func.func @transform_5(%arg0: i32, %arg1: memref<48xi32, #tpu.memory_space<smem>>) -> (i32, i32, i32) {
    %get3A = arith.index_cast %arg0 : i32 to index
    %get3A_0 = memref.load %arg1[%get3A] : memref<48xi32, #tpu.memory_space<smem>>
    %c0_i32 = arith.constant 0 : i32
    %c0_i32_1 = arith.constant 0 : i32
    %c0_i32_2 = arith.constant 0 : i32
    return %get3A_0, %c0_i32, %c0_i32_1 : i32, i32, i32
  }
  func.func @transform_6(%arg0: i32, %arg1: memref<48xi32, #tpu.memory_space<smem>>) -> (i32, i32) {
    %jit3A = arith.constant 2 : i32
    %div3A = arith.divsi %arg0, %jit3A : i32
    %sign3A = arith.constant 0 : i32
    %sign3A_0 = arith.cmpi sgt, %arg0, %sign3A : i32
    %sign3A_1 = arith.extui %sign3A_0 : i1 to i32
    %sign3A_2 = arith.constant 0 : i32
    %sign3A_3 = arith.cmpi slt, %arg0, %sign3A_2 : i32
    %sign3A_4 = arith.extui %sign3A_3 : i1 to i32
    %sign3A_5 = arith.subi %sign3A_1, %sign3A_4 : i32
    %sign3A_6 = arith.constant 0 : i32
    %sign3A_7 = arith.cmpi sgt, %jit3A, %sign3A_6 : i32
    %sign3A_8 = arith.extui %sign3A_7 : i1 to i32
    %sign3A_9 = arith.constant 0 : i32
    %sign3A_10 = arith.cmpi slt, %jit3A, %sign3A_9 : i32
    %sign3A_11 = arith.extui %sign3A_10 : i1 to i32
    %sign3A_12 = arith.subi %sign3A_8, %sign3A_11 : i32
    %ne3A = arith.cmpi ne, %sign3A_5, %sign3A_12 : i32
    %rem3A = arith.remsi %arg0, %jit3A : i32
    %ne3A_13 = arith.constant 0 : i32
    %ne3A_14 = arith.cmpi ne, %rem3A, %ne3A_13 : i32
    %and3A = arith.andi %ne3A, %ne3A_14 : i1
    %sub3A = arith.constant 1 : i32
    %sub3A_15 = arith.subi %div3A, %sub3A : i32
    %select_n3A = arith.select %and3A, %sub3A_15, %div3A : i32
    %c0_i32 = arith.constant 0 : i32
    %c0_i32_16 = arith.constant 0 : i32
    return %select_n3A, %c0_i32 : i32, i32
  }
}

module attributes {stable_mosaic.version = 14 : i64} {
  func.func @_gate_route_body(%arg0: memref<4096x1024xf32, #tpu.memory_space<vmem>>, %arg1: memref<1024x8xf32, #tpu.memory_space<vmem>>, %arg2: memref<4096x8xf32, #tpu.memory_space<vmem>>, %arg3: memref<64x128xi32, #tpu.memory_space<vmem>>, %arg4: memref<64x128xf32, #tpu.memory_space<vmem>>, %arg5: memref<1x48xi32, #tpu.memory_space<vmem>>, %arg6: memref<1x1xf32, #tpu.memory_space<vmem>>, %arg7: memref<4096x8xf32, #tpu.memory_space<vmem>>) attributes {dimension_semantics = [], scalar_prefetch = 0 : i64, scratch_operands = 1 : i64, tpu.core_type = #tpu.core_type<tc>} {
    %get3A = arith.constant 0 : index
    %get3A_0 = arith.constant 0 : index
    %get3A_1 = vector.load %arg0[%get3A, %get3A_0] : memref<4096x1024xf32, #tpu.memory_space<vmem>>, vector<4096x1024xf32>
    %get3A_2 = arith.constant 0 : index
    %get3A_3 = arith.constant 0 : index
    %get3A_4 = vector.load %arg1[%get3A_2, %get3A_3] : memref<1024x8xf32, #tpu.memory_space<vmem>>, vector<1024x8xf32>
    %dot_general3A = arith.constant dense<0.000000e+00> : vector<4096x8xf32>
    %dot_general3A_5 = tpu.matmul %get3A_1, %get3A_4, %dot_general3A {dimension_numbers = #tpu.dot_dimension_numbers<[1], [0], [0], [1], [0, 0, 1, 1], [], []>, transpose_lhs_hint = false} : vector<4096x1024xf32>, vector<1024x8xf32>, vector<4096x8xf32> -> vector<4096x8xf32>
    %iota3A = tpu.iota {dimensions = array<i32: 1>} : vector<4096x8xi32>
    %convert_element_type3A = arith.sitofp %iota3A : vector<4096x8xi32> to vector<4096x8xf32>
    %reduce_max3A = arith.constant dense<0xFF800000> : vector<4096xf32>
    %reduce_max3A_6 = vector.multi_reduction <maximumf>, %dot_general3A_5, %reduce_max3A [1] : vector<4096x8xf32> to vector<4096xf32>
    %broadcast_in_dim3A = vector.shape_cast %reduce_max3A_6 : vector<4096xf32> to vector<4096x1xf32>
    %eq3A = vector.broadcast %broadcast_in_dim3A : vector<4096x1xf32> to vector<4096x8xf32>
    %eq3A_7 = arith.cmpf oeq, %dot_general3A_5, %eq3A : vector<4096x8xf32>
    %jit3A = arith.constant 8.000000e+00 : f32
    %broadcast_in_dim3A_8 = vector.broadcast %jit3A : f32 to vector<4096x8xf32>
    %select_n3A = arith.select %eq3A_7, %convert_element_type3A, %broadcast_in_dim3A_8 : vector<4096x8xi1>, vector<4096x8xf32>
    %reduce_min3A = arith.constant dense<0x7F800000> : vector<4096xf32>
    %reduce_min3A_9 = vector.multi_reduction <minimumf>, %select_n3A, %reduce_min3A [1] : vector<4096x8xf32> to vector<4096xf32>
    %broadcast_in_dim3A_10 = vector.shape_cast %reduce_min3A_9 : vector<4096xf32> to vector<4096x1xf32>
    %eq3A_11 = vector.broadcast %broadcast_in_dim3A_10 : vector<4096x1xf32> to vector<4096x8xf32>
    %eq3A_12 = arith.cmpf oeq, %convert_element_type3A, %eq3A_11 : vector<4096x8xf32>
    %convert_element_type3A_13 = arith.extui %eq3A_12 : vector<4096x8xi1> to vector<4096x8xi32>
    %convert_element_type3A_14 = arith.sitofp %convert_element_type3A_13 : vector<4096x8xi32> to vector<4096x8xf32>
    %gt3A = arith.constant 0.000000e+00 : f32
    %gt3A_15 = vector.broadcast %gt3A : f32 to vector<4096x8xf32>
    %gt3A_16 = arith.cmpf ogt, %convert_element_type3A_14, %gt3A_15 : vector<4096x8xf32>
    %jit3A_17 = arith.constant 0xFF800000 : f32
    %broadcast_in_dim3A_18 = vector.broadcast %jit3A_17 : f32 to vector<4096x8xf32>
    %select_n3A_19 = arith.select %gt3A_16, %broadcast_in_dim3A_18, %dot_general3A_5 : vector<4096x8xi1>, vector<4096x8xf32>
    %reduce_max3A_20 = arith.constant dense<0xFF800000> : vector<4096xf32>
    %reduce_max3A_21 = vector.multi_reduction <maximumf>, %select_n3A_19, %reduce_max3A_20 [1] : vector<4096x8xf32> to vector<4096xf32>
    %broadcast_in_dim3A_22 = vector.shape_cast %reduce_max3A_21 : vector<4096xf32> to vector<4096x1xf32>
    %eq3A_23 = vector.broadcast %broadcast_in_dim3A_22 : vector<4096x1xf32> to vector<4096x8xf32>
    %eq3A_24 = arith.cmpf oeq, %select_n3A_19, %eq3A_23 : vector<4096x8xf32>
    %jit3A_25 = arith.constant 8.000000e+00 : f32
    %broadcast_in_dim3A_26 = vector.broadcast %jit3A_25 : f32 to vector<4096x8xf32>
    %select_n3A_27 = arith.select %eq3A_24, %convert_element_type3A, %broadcast_in_dim3A_26 : vector<4096x8xi1>, vector<4096x8xf32>
    %reduce_min3A_28 = arith.constant dense<0x7F800000> : vector<4096xf32>
    %reduce_min3A_29 = vector.multi_reduction <minimumf>, %select_n3A_27, %reduce_min3A_28 [1] : vector<4096x8xf32> to vector<4096xf32>
    %broadcast_in_dim3A_30 = vector.shape_cast %reduce_min3A_29 : vector<4096xf32> to vector<4096x1xf32>
    %eq3A_31 = vector.broadcast %broadcast_in_dim3A_30 : vector<4096x1xf32> to vector<4096x8xf32>
    %eq3A_32 = arith.cmpf oeq, %convert_element_type3A, %eq3A_31 : vector<4096x8xf32>
    %convert_element_type3A_33 = arith.extui %eq3A_32 : vector<4096x8xi1> to vector<4096x8xi32>
    %convert_element_type3A_34 = arith.sitofp %convert_element_type3A_33 : vector<4096x8xi32> to vector<4096x8xf32>
    %sub3A = arith.subf %broadcast_in_dim3A_22, %broadcast_in_dim3A : vector<4096x1xf32>
    %exp3A = math.exp %sub3A : vector<4096x1xf32>
    %add3A = arith.constant 1.000000e+00 : f32
    %add3A_35 = vector.broadcast %add3A : f32 to vector<4096x1xf32>
    %add3A_36 = arith.addf %add3A_35, %exp3A : vector<4096x1xf32>
    %div3A = arith.constant 1.000000e+00 : f32
    %div3A_37 = vector.broadcast %div3A : f32 to vector<4096x1xf32>
    %div3A_38 = arith.divf %div3A_37, %add3A_36 : vector<4096x1xf32>
    %add3A_39 = arith.constant 1.000000e+00 : f32
    %add3A_40 = vector.broadcast %add3A_39 : f32 to vector<4096x1xf32>
    %add3A_41 = arith.addf %add3A_40, %exp3A : vector<4096x1xf32>
    %div3A_42 = arith.divf %exp3A, %add3A_41 : vector<4096x1xf32>
    %mul3A = vector.broadcast %div3A_38 : vector<4096x1xf32> to vector<4096x8xf32>
    %mul3A_43 = arith.mulf %convert_element_type3A_14, %mul3A : vector<4096x8xf32>
    %mul3A_44 = vector.broadcast %div3A_42 : vector<4096x1xf32> to vector<4096x8xf32>
    %mul3A_45 = arith.mulf %convert_element_type3A_34, %mul3A_44 : vector<4096x8xf32>
    %add3A_46 = arith.addf %mul3A_43, %mul3A_45 : vector<4096x8xf32>
    %swap3A = arith.constant 0 : index
    %swap3A_47 = arith.constant 0 : index
    %swap3A_48 = vector.load %arg2[%swap3A, %swap3A_47] : memref<4096x8xf32, #tpu.memory_space<vmem>>, vector<4096x8xf32>
    tpu.vector_store %arg2[%swap3A, %swap3A_47], %add3A_46 {strides = array<i32>} : memref<4096x8xf32, #tpu.memory_space<vmem>>, vector<4096x8xf32>,
    %reduce_sum3A = arith.constant dense<0.000000e+00> : vector<8xf32>
    %reduce_sum3A_49 = vector.multi_reduction <add>, %add3A_46, %reduce_sum3A [0] : vector<4096x8xf32> to vector<8xf32>
    %broadcast_in_dim3A_50 = vector.shape_cast %reduce_sum3A_49 : vector<8xf32> to vector<1x8xf32>
    %reduce_sum3A_51 = arith.constant dense<0.000000e+00> : vector<1xf32>
    %reduce_sum3A_52 = vector.multi_reduction <add>, %broadcast_in_dim3A_50, %reduce_sum3A_51 [1] : vector<1x8xf32> to vector<1xf32>
    %broadcast_in_dim3A_53 = vector.shape_cast %reduce_sum3A_52 : vector<1xf32> to vector<1x1xf32>
    %div3A_54 = arith.constant 8.000000e+00 : f32
    %div3A_55 = vector.broadcast %div3A_54 : f32 to vector<1x1xf32>
    %div3A_56 = arith.divf %broadcast_in_dim3A_53, %div3A_55 : vector<1x1xf32>
    %sub3A_57 = vector.broadcast %div3A_56 : vector<1x1xf32> to vector<1x8xf32>
    %sub3A_58 = arith.subf %broadcast_in_dim3A_50, %sub3A_57 : vector<1x8xf32>
    %integer_pow3A = arith.mulf %sub3A_58, %sub3A_58 : vector<1x8xf32>
    %reduce_sum3A_59 = arith.constant dense<0.000000e+00> : vector<1xf32>
    %reduce_sum3A_60 = vector.multi_reduction <add>, %integer_pow3A, %reduce_sum3A_59 [1] : vector<1x8xf32> to vector<1xf32>
    %broadcast_in_dim3A_61 = vector.shape_cast %reduce_sum3A_60 : vector<1xf32> to vector<1x1xf32>
    %div3A_62 = arith.constant 7.000000e+00 : f32
    %div3A_63 = vector.broadcast %div3A_62 : f32 to vector<1x1xf32>
    %div3A_64 = arith.divf %broadcast_in_dim3A_61, %div3A_63 : vector<1x1xf32>
    %mul3A_65 = arith.mulf %div3A_56, %div3A_56 : vector<1x1xf32>
    %add3A_66 = arith.constant 1.000000e-10 : f32
    %add3A_67 = vector.broadcast %add3A_66 : f32 to vector<1x1xf32>
    %add3A_68 = arith.addf %mul3A_65, %add3A_67 : vector<1x1xf32>
    %div3A_69 = arith.divf %div3A_64, %add3A_68 : vector<1x1xf32>
    %swap3A_70 = arith.constant 0 : index
    %swap3A_71 = arith.constant 0 : index
    %swap3A_72 = vector.load %arg6[%swap3A_70, %swap3A_71] : memref<1x1xf32, #tpu.memory_space<vmem>>, vector<1x1xf32>
    tpu.vector_store %arg6[%swap3A_70, %swap3A_71], %div3A_69 {strides = array<i32>} : memref<1x1xf32, #tpu.memory_space<vmem>>, vector<1x1xf32>,
    %add3A_73 = arith.addf %convert_element_type3A_14, %convert_element_type3A_34 : vector<4096x8xf32>
    %iota3A_74 = tpu.iota {dimensions = array<i32: 1>} : vector<512x512xi32>
    %iota3A_75 = tpu.iota {dimensions = array<i32: 0>} : vector<512x512xi32>
    %lt3A = arith.cmpi slt, %iota3A_74, %iota3A_75 : vector<512x512xi32>
    %convert_element_type3A_76 = arith.extui %lt3A : vector<512x512xi1> to vector<512x512xi32>
    %convert_element_type3A_77 = arith.sitofp %convert_element_type3A_76 : vector<512x512xi32> to vector<512x512xf32>
    %broadcast_in_dim3A_78 = arith.constant 0.000000e+00 : f32
    %broadcast_in_dim3A_79 = vector.broadcast %broadcast_in_dim3A_78 : f32 to vector<1x8xf32>
    %slice3A = vector.extract_strided_slice %add3A_73 {offsets = [0, 0], sizes = [512, 8], strides = [1, 1]} : vector<4096x8xf32> to vector<512x8xf32>
    %dot_general3A_80 = arith.constant dense<0.000000e+00> : vector<512x8xf32>
    %dot_general3A_81 = tpu.matmul %convert_element_type3A_77, %slice3A, %dot_general3A_80 {dimension_numbers = #tpu.dot_dimension_numbers<[1], [0], [0], [1], [0, 0, 1, 1], [], []>, transpose_lhs_hint = false} : vector<512x512xf32>, vector<512x8xf32>, vector<512x8xf32> -> vector<512x8xf32>
    %add3A_82 = vector.broadcast %broadcast_in_dim3A_79 : vector<1x8xf32> to vector<512x8xf32>
    %add3A_83 = arith.addf %dot_general3A_81, %add3A_82 : vector<512x8xf32>
    %swap3A_84 = arith.constant 0 : index
    %swap3A_85 = arith.constant 0 : index
    %swap3A_86 = vector.load %arg7[%swap3A_84, %swap3A_85] : memref<4096x8xf32, #tpu.memory_space<vmem>>, vector<512x8xf32>
    tpu.vector_store %arg7[%swap3A_84, %swap3A_85], %add3A_83 {strides = array<i32>} : memref<4096x8xf32, #tpu.memory_space<vmem>>, vector<512x8xf32>,
    %reduce_sum3A_87 = arith.constant dense<0.000000e+00> : vector<8xf32>
    %reduce_sum3A_88 = vector.multi_reduction <add>, %slice3A, %reduce_sum3A_87 [0] : vector<512x8xf32> to vector<8xf32>
    %broadcast_in_dim3A_89 = vector.shape_cast %reduce_sum3A_88 : vector<8xf32> to vector<1x8xf32>
    %add3A_90 = arith.addf %broadcast_in_dim3A_79, %broadcast_in_dim3A_89 : vector<1x8xf32>
    %slice3A_91 = vector.extract_strided_slice %add3A_73 {offsets = [512, 0], sizes = [512, 8], strides = [1, 1]} : vector<4096x8xf32> to vector<512x8xf32>
    %dot_general3A_92 = arith.constant dense<0.000000e+00> : vector<512x8xf32>
    %dot_general3A_93 = tpu.matmul %convert_element_type3A_77, %slice3A_91, %dot_general3A_92 {dimension_numbers = #tpu.dot_dimension_numbers<[1], [0], [0], [1], [0, 0, 1, 1], [], []>, transpose_lhs_hint = false} : vector<512x512xf32>, vector<512x8xf32>, vector<512x8xf32> -> vector<512x8xf32>
    %add3A_94 = vector.broadcast %add3A_90 : vector<1x8xf32> to vector<512x8xf32>
    %add3A_95 = arith.addf %dot_general3A_93, %add3A_94 : vector<512x8xf32>
    %swap3A_96 = arith.constant 512 : index
    %swap3A_97 = arith.constant 0 : index
    %swap3A_98 = vector.load %arg7[%swap3A_96, %swap3A_97] : memref<4096x8xf32, #tpu.memory_space<vmem>>, vector<512x8xf32>
    tpu.vector_store %arg7[%swap3A_96, %swap3A_97], %add3A_95 {strides = array<i32>} : memref<4096x8xf32, #tpu.memory_space<vmem>>, vector<512x8xf32>,
    %reduce_sum3A_99 = arith.constant dense<0.000000e+00> : vector<8xf32>
    %reduce_sum3A_100 = vector.multi_reduction <add>, %slice3A_91, %reduce_sum3A_99 [0] : vector<512x8xf32> to vector<8xf32>
    %broadcast_in_dim3A_101 = vector.shape_cast %reduce_sum3A_100 : vector<8xf32> to vector<1x8xf32>
    %add3A_102 = arith.addf %add3A_90, %broadcast_in_dim3A_101 : vector<1x8xf32>
    %slice3A_103 = vector.extract_strided_slice %add3A_73 {offsets = [1024, 0], sizes = [512, 8], strides = [1, 1]} : vector<4096x8xf32> to vector<512x8xf32>
    %dot_general3A_104 = arith.constant dense<0.000000e+00> : vector<512x8xf32>
    %dot_general3A_105 = tpu.matmul %convert_element_type3A_77, %slice3A_103, %dot_general3A_104 {dimension_numbers = #tpu.dot_dimension_numbers<[1], [0], [0], [1], [0, 0, 1, 1], [], []>, transpose_lhs_hint = false} : vector<512x512xf32>, vector<512x8xf32>, vector<512x8xf32> -> vector<512x8xf32>
    %add3A_106 = vector.broadcast %add3A_102 : vector<1x8xf32> to vector<512x8xf32>
    %add3A_107 = arith.addf %dot_general3A_105, %add3A_106 : vector<512x8xf32>
    %swap3A_108 = arith.constant 1024 : index
    %swap3A_109 = arith.constant 0 : index
    %swap3A_110 = vector.load %arg7[%swap3A_108, %swap3A_109] : memref<4096x8xf32, #tpu.memory_space<vmem>>, vector<512x8xf32>
    tpu.vector_store %arg7[%swap3A_108, %swap3A_109], %add3A_107 {strides = array<i32>} : memref<4096x8xf32, #tpu.memory_space<vmem>>, vector<512x8xf32>,
    %reduce_sum3A_111 = arith.constant dense<0.000000e+00> : vector<8xf32>
    %reduce_sum3A_112 = vector.multi_reduction <add>, %slice3A_103, %reduce_sum3A_111 [0] : vector<512x8xf32> to vector<8xf32>
    %broadcast_in_dim3A_113 = vector.shape_cast %reduce_sum3A_112 : vector<8xf32> to vector<1x8xf32>
    %add3A_114 = arith.addf %add3A_102, %broadcast_in_dim3A_113 : vector<1x8xf32>
    %slice3A_115 = vector.extract_strided_slice %add3A_73 {offsets = [1536, 0], sizes = [512, 8], strides = [1, 1]} : vector<4096x8xf32> to vector<512x8xf32>
    %dot_general3A_116 = arith.constant dense<0.000000e+00> : vector<512x8xf32>
    %dot_general3A_117 = tpu.matmul %convert_element_type3A_77, %slice3A_115, %dot_general3A_116 {dimension_numbers = #tpu.dot_dimension_numbers<[1], [0], [0], [1], [0, 0, 1, 1], [], []>, transpose_lhs_hint = false} : vector<512x512xf32>, vector<512x8xf32>, vector<512x8xf32> -> vector<512x8xf32>
    %add3A_118 = vector.broadcast %add3A_114 : vector<1x8xf32> to vector<512x8xf32>
    %add3A_119 = arith.addf %dot_general3A_117, %add3A_118 : vector<512x8xf32>
    %swap3A_120 = arith.constant 1536 : index
    %swap3A_121 = arith.constant 0 : index
    %swap3A_122 = vector.load %arg7[%swap3A_120, %swap3A_121] : memref<4096x8xf32, #tpu.memory_space<vmem>>, vector<512x8xf32>
    tpu.vector_store %arg7[%swap3A_120, %swap3A_121], %add3A_119 {strides = array<i32>} : memref<4096x8xf32, #tpu.memory_space<vmem>>, vector<512x8xf32>,
    %reduce_sum3A_123 = arith.constant dense<0.000000e+00> : vector<8xf32>
    %reduce_sum3A_124 = vector.multi_reduction <add>, %slice3A_115, %reduce_sum3A_123 [0] : vector<512x8xf32> to vector<8xf32>
    %broadcast_in_dim3A_125 = vector.shape_cast %reduce_sum3A_124 : vector<8xf32> to vector<1x8xf32>
    %add3A_126 = arith.addf %add3A_114, %broadcast_in_dim3A_125 : vector<1x8xf32>
    %slice3A_127 = vector.extract_strided_slice %add3A_73 {offsets = [2048, 0], sizes = [512, 8], strides = [1, 1]} : vector<4096x8xf32> to vector<512x8xf32>
    %dot_general3A_128 = arith.constant dense<0.000000e+00> : vector<512x8xf32>
    %dot_general3A_129 = tpu.matmul %convert_element_type3A_77, %slice3A_127, %dot_general3A_128 {dimension_numbers = #tpu.dot_dimension_numbers<[1], [0], [0], [1], [0, 0, 1, 1], [], []>, transpose_lhs_hint = false} : vector<512x512xf32>, vector<512x8xf32>, vector<512x8xf32> -> vector<512x8xf32>
    %add3A_130 = vector.broadcast %add3A_126 : vector<1x8xf32> to vector<512x8xf32>
    %add3A_131 = arith.addf %dot_general3A_129, %add3A_130 : vector<512x8xf32>
    %swap3A_132 = arith.constant 2048 : index
    %swap3A_133 = arith.constant 0 : index
    %swap3A_134 = vector.load %arg7[%swap3A_132, %swap3A_133] : memref<4096x8xf32, #tpu.memory_space<vmem>>, vector<512x8xf32>
    tpu.vector_store %arg7[%swap3A_132, %swap3A_133], %add3A_131 {strides = array<i32>} : memref<4096x8xf32, #tpu.memory_space<vmem>>, vector<512x8xf32>,
    %reduce_sum3A_135 = arith.constant dense<0.000000e+00> : vector<8xf32>
    %reduce_sum3A_136 = vector.multi_reduction <add>, %slice3A_127, %reduce_sum3A_135 [0] : vector<512x8xf32> to vector<8xf32>
    %broadcast_in_dim3A_137 = vector.shape_cast %reduce_sum3A_136 : vector<8xf32> to vector<1x8xf32>
    %add3A_138 = arith.addf %add3A_126, %broadcast_in_dim3A_137 : vector<1x8xf32>
    %slice3A_139 = vector.extract_strided_slice %add3A_73 {offsets = [2560, 0], sizes = [512, 8], strides = [1, 1]} : vector<4096x8xf32> to vector<512x8xf32>
    %dot_general3A_140 = arith.constant dense<0.000000e+00> : vector<512x8xf32>
    %dot_general3A_141 = tpu.matmul %convert_element_type3A_77, %slice3A_139, %dot_general3A_140 {dimension_numbers = #tpu.dot_dimension_numbers<[1], [0], [0], [1], [0, 0, 1, 1], [], []>, transpose_lhs_hint = false} : vector<512x512xf32>, vector<512x8xf32>, vector<512x8xf32> -> vector<512x8xf32>
    %add3A_142 = vector.broadcast %add3A_138 : vector<1x8xf32> to vector<512x8xf32>
    %add3A_143 = arith.addf %dot_general3A_141, %add3A_142 : vector<512x8xf32>
    %swap3A_144 = arith.constant 2560 : index
    %swap3A_145 = arith.constant 0 : index
    %swap3A_146 = vector.load %arg7[%swap3A_144, %swap3A_145] : memref<4096x8xf32, #tpu.memory_space<vmem>>, vector<512x8xf32>
    tpu.vector_store %arg7[%swap3A_144, %swap3A_145], %add3A_143 {strides = array<i32>} : memref<4096x8xf32, #tpu.memory_space<vmem>>, vector<512x8xf32>,
    %reduce_sum3A_147 = arith.constant dense<0.000000e+00> : vector<8xf32>
    %reduce_sum3A_148 = vector.multi_reduction <add>, %slice3A_139, %reduce_sum3A_147 [0] : vector<512x8xf32> to vector<8xf32>
    %broadcast_in_dim3A_149 = vector.shape_cast %reduce_sum3A_148 : vector<8xf32> to vector<1x8xf32>
    %add3A_150 = arith.addf %add3A_138, %broadcast_in_dim3A_149 : vector<1x8xf32>
    %slice3A_151 = vector.extract_strided_slice %add3A_73 {offsets = [3072, 0], sizes = [512, 8], strides = [1, 1]} : vector<4096x8xf32> to vector<512x8xf32>
    %dot_general3A_152 = arith.constant dense<0.000000e+00> : vector<512x8xf32>
    %dot_general3A_153 = tpu.matmul %convert_element_type3A_77, %slice3A_151, %dot_general3A_152 {dimension_numbers = #tpu.dot_dimension_numbers<[1], [0], [0], [1], [0, 0, 1, 1], [], []>, transpose_lhs_hint = false} : vector<512x512xf32>, vector<512x8xf32>, vector<512x8xf32> -> vector<512x8xf32>
    %add3A_154 = vector.broadcast %add3A_150 : vector<1x8xf32> to vector<512x8xf32>
    %add3A_155 = arith.addf %dot_general3A_153, %add3A_154 : vector<512x8xf32>
    %swap3A_156 = arith.constant 3072 : index
    %swap3A_157 = arith.constant 0 : index
    %swap3A_158 = vector.load %arg7[%swap3A_156, %swap3A_157] : memref<4096x8xf32, #tpu.memory_space<vmem>>, vector<512x8xf32>
    tpu.vector_store %arg7[%swap3A_156, %swap3A_157], %add3A_155 {strides = array<i32>} : memref<4096x8xf32, #tpu.memory_space<vmem>>, vector<512x8xf32>,
    %reduce_sum3A_159 = arith.constant dense<0.000000e+00> : vector<8xf32>
    %reduce_sum3A_160 = vector.multi_reduction <add>, %slice3A_151, %reduce_sum3A_159 [0] : vector<512x8xf32> to vector<8xf32>
    %broadcast_in_dim3A_161 = vector.shape_cast %reduce_sum3A_160 : vector<8xf32> to vector<1x8xf32>
    %add3A_162 = arith.addf %add3A_150, %broadcast_in_dim3A_161 : vector<1x8xf32>
    %slice3A_163 = vector.extract_strided_slice %add3A_73 {offsets = [3584, 0], sizes = [512, 8], strides = [1, 1]} : vector<4096x8xf32> to vector<512x8xf32>
    %dot_general3A_164 = arith.constant dense<0.000000e+00> : vector<512x8xf32>
    %dot_general3A_165 = tpu.matmul %convert_element_type3A_77, %slice3A_163, %dot_general3A_164 {dimension_numbers = #tpu.dot_dimension_numbers<[1], [0], [0], [1], [0, 0, 1, 1], [], []>, transpose_lhs_hint = false} : vector<512x512xf32>, vector<512x8xf32>, vector<512x8xf32> -> vector<512x8xf32>
    %add3A_166 = vector.broadcast %add3A_162 : vector<1x8xf32> to vector<512x8xf32>
    %add3A_167 = arith.addf %dot_general3A_165, %add3A_166 : vector<512x8xf32>
    %swap3A_168 = arith.constant 3584 : index
    %swap3A_169 = arith.constant 0 : index
    %swap3A_170 = vector.load %arg7[%swap3A_168, %swap3A_169] : memref<4096x8xf32, #tpu.memory_space<vmem>>, vector<512x8xf32>
    tpu.vector_store %arg7[%swap3A_168, %swap3A_169], %add3A_167 {strides = array<i32>} : memref<4096x8xf32, #tpu.memory_space<vmem>>, vector<512x8xf32>,
    %reduce_sum3A_171 = arith.constant dense<0.000000e+00> : vector<8xf32>
    %reduce_sum3A_172 = vector.multi_reduction <add>, %slice3A_163, %reduce_sum3A_171 [0] : vector<512x8xf32> to vector<8xf32>
    %broadcast_in_dim3A_173 = vector.shape_cast %reduce_sum3A_172 : vector<8xf32> to vector<1x8xf32>
    %add3A_174 = arith.addf %add3A_162, %broadcast_in_dim3A_173 : vector<1x8xf32>
    %add3A_175 = arith.constant 5.110000e+02 : f32
    %add3A_176 = vector.broadcast %add3A_175 : f32 to vector<1x8xf32>
    %add3A_177 = arith.addf %add3A_174, %add3A_176 : vector<1x8xf32>
    %div3A_178 = arith.constant 5.120000e+02 : f32
    %div3A_179 = vector.broadcast %div3A_178 : f32 to vector<1x8xf32>
    %div3A_180 = arith.divf %add3A_177, %div3A_179 : vector<1x8xf32>
    %floor3A = math.floor %div3A_180 : vector<1x8xf32>
    %iota3A_181 = tpu.iota {dimensions = array<i32: 0>} : vector<8x8xi32>
    %iota3A_182 = tpu.iota {dimensions = array<i32: 1>} : vector<8x8xi32>
    %lt3A_183 = arith.cmpi slt, %iota3A_181, %iota3A_182 : vector<8x8xi32>
    %convert_element_type3A_184 = arith.extui %lt3A_183 : vector<8x8xi1> to vector<8x8xi32>
    %convert_element_type3A_185 = arith.sitofp %convert_element_type3A_184 : vector<8x8xi32> to vector<8x8xf32>
    %dot_general3A_186 = arith.constant dense<0.000000e+00> : vector<1x8xf32>
    %dot_general3A_187 = tpu.matmul %floor3A, %convert_element_type3A_185, %dot_general3A_186 {dimension_numbers = #tpu.dot_dimension_numbers<[1], [0], [0], [1], [0, 0, 1, 1], [], []>, transpose_lhs_hint = false} : vector<1x8xf32>, vector<8x8xf32>, vector<1x8xf32> -> vector<1x8xf32>
    %mul3A_188 = arith.constant 5.120000e+02 : f32
    %mul3A_189 = vector.broadcast %mul3A_188 : f32 to vector<1x8xf32>
    %mul3A_190 = arith.mulf %dot_general3A_187, %mul3A_189 : vector<1x8xf32>
    %get3A_191 = arith.constant 0 : index
    %get3A_192 = arith.constant 0 : index
    %get3A_193 = vector.load %arg7[%get3A_191, %get3A_192] : memref<4096x8xf32, #tpu.memory_space<vmem>>, vector<4096x8xf32>
    %add3A_194 = vector.broadcast %mul3A_190 : vector<1x8xf32> to vector<4096x8xf32>
    %add3A_195 = arith.addf %add3A_194, %get3A_193 : vector<4096x8xf32>
    %mul3A_196 = arith.mulf %convert_element_type3A_14, %add3A_195 : vector<4096x8xf32>
    %reduce_sum3A_197 = arith.constant dense<0.000000e+00> : vector<4096xf32>
    %reduce_sum3A_198 = vector.multi_reduction <add>, %mul3A_196, %reduce_sum3A_197 [1] : vector<4096x8xf32> to vector<4096xf32>
    %broadcast_in_dim3A_199 = vector.shape_cast %reduce_sum3A_198 : vector<4096xf32> to vector<4096x1xf32>
    %mul3A_200 = arith.mulf %convert_element_type3A_34, %add3A_195 : vector<4096x8xf32>
    %reduce_sum3A_201 = arith.constant dense<0.000000e+00> : vector<4096xf32>
    %reduce_sum3A_202 = vector.multi_reduction <add>, %mul3A_200, %reduce_sum3A_201 [1] : vector<4096x8xf32> to vector<4096xf32>
    %broadcast_in_dim3A_203 = vector.shape_cast %reduce_sum3A_202 : vector<4096xf32> to vector<4096x1xf32>
    %reshape3A = vector.shape_cast %broadcast_in_dim3A_199 : vector<4096x1xf32> to vector<32x128xf32>
    %reshape3A_204 = vector.shape_cast %broadcast_in_dim3A_203 : vector<4096x1xf32> to vector<32x128xf32>
    %concatenate3A = tpu.concatenate %reshape3A, %reshape3A_204 in 0 : vector<32x128xf32>, vector<32x128xf32> -> vector<64x128xf32>
    %convert_element_type3A_205 = arith.fptosi %concatenate3A : vector<64x128xf32> to vector<64x128xi32>
    %swap3A_206 = arith.constant 0 : index
    %swap3A_207 = arith.constant 0 : index
    %swap3A_208 = vector.load %arg3[%swap3A_206, %swap3A_207] : memref<64x128xi32, #tpu.memory_space<vmem>>, vector<64x128xi32>
    tpu.vector_store %arg3[%swap3A_206, %swap3A_207], %convert_element_type3A_205 {strides = array<i32>} : memref<64x128xi32, #tpu.memory_space<vmem>>, vector<64x128xi32>,
    %reshape3A_209 = vector.shape_cast %div3A_38 : vector<4096x1xf32> to vector<32x128xf32>
    %reshape3A_210 = vector.shape_cast %div3A_42 : vector<4096x1xf32> to vector<32x128xf32>
    %concatenate3A_211 = tpu.concatenate %reshape3A_209, %reshape3A_210 in 0 : vector<32x128xf32>, vector<32x128xf32> -> vector<64x128xf32>
    %swap3A_212 = arith.constant 0 : index
    %swap3A_213 = arith.constant 0 : index
    %swap3A_214 = vector.load %arg4[%swap3A_212, %swap3A_213] : memref<64x128xf32, #tpu.memory_space<vmem>>, vector<64x128xf32>
    tpu.vector_store %arg4[%swap3A_212, %swap3A_213], %concatenate3A_211 {strides = array<i32>} : memref<64x128xf32, #tpu.memory_space<vmem>>, vector<64x128xf32>,
    %iota3A_215 = tpu.iota {dimensions = array<i32: 1>} : vector<8x24xi32>
    %convert_element_type3A_216 = arith.fptosi %dot_general3A_187 : vector<1x8xf32> to vector<1x8xi32>
    %reshape3A_217 = vector.shape_cast %convert_element_type3A_216 : vector<1x8xi32> to vector<8x1xi32>
    %broadcast_in_dim3A_218 = vector.shape_cast %reshape3A_217 : vector<8x1xi32> to vector<8x1xi32>
    %broadcast_in_dim3A_219 = vector.broadcast %broadcast_in_dim3A_218 : vector<8x1xi32> to vector<8x24xi32>
    %ge3A = arith.cmpi sge, %iota3A_215, %broadcast_in_dim3A_219 : vector<8x24xi32>
    %convert_element_type3A_220 = arith.extui %ge3A : vector<8x24xi1> to vector<8x24xi32>
    %reduce_sum3A_221 = arith.constant dense<0> : vector<24xi32>
    %reduce_sum3A_222 = vector.multi_reduction <add>, %convert_element_type3A_220, %reduce_sum3A_221 [0] : vector<8x24xi32> to vector<24xi32>
    %broadcast_in_dim3A_223 = vector.shape_cast %reduce_sum3A_222 : vector<24xi32> to vector<1x24xi32>
    %sub3A_224 = arith.constant 1 : i32
    %sub3A_225 = vector.broadcast %sub3A_224 : i32 to vector<1x24xi32>
    %sub3A_226 = arith.subi %broadcast_in_dim3A_223, %sub3A_225 : vector<1x24xi32>
    %reduce_sum3A_227 = arith.constant dense<0.000000e+00> : vector<1xf32>
    %reduce_sum3A_228 = vector.multi_reduction <add>, %floor3A, %reduce_sum3A_227 [1] : vector<1x8xf32> to vector<1xf32>
    %broadcast_in_dim3A_229 = vector.shape_cast %reduce_sum3A_228 : vector<1xf32> to vector<1x1xf32>
    %convert_element_type3A_230 = arith.fptosi %broadcast_in_dim3A_229 : vector<1x1xf32> to vector<1x1xi32>
    %iota3A_231 = tpu.iota {dimensions = array<i32: 1>} : vector<1x24xi32>
    %sub3A_232 = arith.constant 1 : i32
    %sub3A_233 = vector.broadcast %sub3A_232 : i32 to vector<1x1xi32>
    %sub3A_234 = arith.subi %convert_element_type3A_230, %sub3A_233 : vector<1x1xi32>
    %min3A = vector.broadcast %sub3A_234 : vector<1x1xi32> to vector<1x24xi32>
    %min3A_235 = arith.minsi %iota3A_231, %min3A : vector<1x24xi32>
    %concatenate3A_236 = tpu.concatenate %sub3A_226, %min3A_235 in 1 : vector<1x24xi32>, vector<1x24xi32> -> vector<1x48xi32>
    %swap3A_237 = arith.constant 0 : index
    %swap3A_238 = arith.constant 0 : index
    %swap3A_239 = vector.load %arg5[%swap3A_237, %swap3A_238] : memref<1x48xi32, #tpu.memory_space<vmem>>, vector<1x48xi32>
    tpu.vector_store %arg5[%swap3A_237, %swap3A_238], %concatenate3A_236 {strides = array<i32>} : memref<1x48xi32, #tpu.memory_space<vmem>>, vector<1x48xi32>,
    return
  }
}

</mosaic_0001>

<sc_bundles>
// kernel: kernel.6.cloned.1.call-start
scs
__scs_entry_jumppad:
0x0: {  	(pc) =	sbr.rel $0x88, $3  }
0x1: {  	(tag) =	ssettag $0x0;
	lr =	simm.s32 $0x1  }
0x2: {  	[smem:$0x3F98] =	sst lr;
	_ =	strace $0xD0000000  }
0x3: {  	_ = 	snop  }
0x4: {  	_ = 	snop  }
0x5: {  	_ = 	snop  }
0x6: {  	_ = 	snop  }
0x7: {  	_ = 	snop  }
__scs_overlays_trampoline_lowered:
0x8: {  	[smem:$0x3FA7] =	sst s0  }
0x9: {  	[smem:$0x3FA8] =	sst s1  }
0xa: {  	[smem:$0x3FA9] =	sst s2  }
0xb: {  	[smem:$0x3FAA] =	sst s3  }
0xc: {  	[smem:$0x3FAB] =	sst s4  }
0xd: {  	[smem:$0x3FAC] =	sst s5  }
0xe: {  	[smem:$0x3FAD] =	sst s6  }
0xf: {  	[smem:$0x3FAE] =	sst s7  }
0x10: {  	[smem:$0x3FAF] =	sst s8  }
0x11: {  	[smem:$0x3FB0] =	sst s9;
	s0 =	simm.s32 @!p0 $0x0  }
0x12: {  	s1 =	sld [smem:$0x3F96];
	s0 =	simm.s32 @p0 $0x1  }
0x13: {  	[smem:$0x3FB1] =	sst s0;
	s0 =	simm.s32 @!p1 $0x0  }
0x14: {  	s2 =	sld [smem:$0x3F95];
	s0 =	simm.s32 @p1 $0x1  }
0x15: {  	[smem:$0x3FB2] =	sst s0;
	s0 =	simm.s32 @!p2 $0x0  }
0x16: {  	s3 =	sld [smem:$0x3FDB];
	s0 =	simm.s32 @p2 $0x1  }
0x17: {  	s4 =	simm.s32 $0x1BF5;
	[smem:$0x3FB4] =	sst s0  }
0x18: {  	s0 =	sld [smem:$0x3F97];
	_ =	swait.ge [sflag:s4], $0x0  }
0x19: {  	s7 =	sld [smem:$0x3F98]  }
0x1a: {  	s8 =	sadd.s32 $0xFFFFE003, lr  }
0x1b: {  	s9 =	sadd.s32 $0xFFFFFEF7, lr;
	s5 =	simm.s32 $0xFFFFFFFF;
	p2 =	slt.u32 s8, $0xFFFFF086  }
0x1c: {  	p1 =	slt.u32 s9, $0xF7A;
	s5 =	simm.s32 @!p2 $0x0  }
0x1d: {  	s5 =	simm.s32 @p1 $0x1;
	p0 =	seq.s32 s7, s2  }
0x1e: {  	s7 =	smul.u32 @!p0 $0xF7A, s2;
	p2 =	seq.s32 @!p0 s5, $0x0  }
0x1f: {  	s9 =	smul.u32 $0xF7A, s1;
	s8 =	simm.s32 @!p0 $0x1BF5;
	p2 =	por !p2, p0  }
0x20: {  	[sflag:s8] =	ssyncset.s32 @!p0 $0xFFFFF086;
	s6 =	sadd.s32 @!p0 s3, s7;
	s7 =	simm.s32 @!p0 $0x108  }
0x21: {  	s3 =	sadd.s32 s3, s9;
	s6 =	sadd.s32 @!p0 $0x88, s6;
	s7 =	simm.s32 @p2 $0x1082  }
0x22: {  	[simem:s7], [sflag:s8] =	dma.local @!p0 [hbm:s6], $0xF7A  }
0x23: {  	s9 =	sor.u32 $0xD0000000, s2;
	s6 =	simm.s32 $0x108;
	_ =	swait.ge @!p0 [sflag:s8], $0x0  }
0x24: {  	s3 =	sadd.s32 $0x88, s3;
	s6 =	simm.s32 @!p1 $0x1082;
	[sflag:s4] =	ssyncset.s32 $0xFFFFF086  }
0x25: {  	[simem:s6], [sflag:s4] =	dma.local [hbm:s3], $0xF7A  }
0x26: {  	[smem:$0x3F98] =	sst s1;
	(tag) =	ssettag s2;
	_ =	strace s9  }
0x27: {  	s1 =	sld [smem:$0x3FA8]  }
0x28: {  	s2 =	sld [smem:$0x3FA9]  }
0x29: {  	s4 =	sld [smem:$0x3FAB]  }
0x2a: {  	p0 =	seq.s32 s5, $0x0;
	s5 =	sld [smem:$0x3FAC]  }
0x2b: {  	s6 =	sld [smem:$0x3FAD]  }
0x2c: {  	s7 =	sld [smem:$0x3FAE]  }
0x2d: {  	s3 =	simm.s32 $0x108;
	s8 =	sld [smem:$0x3FAF]  }
0x2e: {  	s3 =	simm.s32 @!p0 $0x1082;
	s9 =	sld [smem:$0x3FB0]  }
0x2f: {  	lr =	sadd.s32 s0, s3;
	s0 =	sld [smem:$0x3FA7]  }
0x30: {  	s3 =	sld [smem:$0x3FAA]  }
0x31: {  	[smem:$0x3FB3] =	sst s10  }
0x32: {  	s10 =	sld [smem:$0x3FB1];
	_ =	sdelay $0x3  }
0x33: {  	p0 =	seq.s32 s10, $0x1;
	s10 =	sld [smem:$0x3FB3];
	_ =	sdelay $0x3  }
0x34: {  	[smem:$0x3FB3] =	sst s10  }
0x35: {  	s10 =	sld [smem:$0x3FB2];
	_ =	sdelay $0x3  }
0x36: {  	p1 =	seq.s32 s10, $0x1;
	s10 =	sld [smem:$0x3FB3];
	_ =	sdelay $0x3  }
0x37: {  	[smem:$0x3FB3] =	sst s10  }
0x38: {  	s10 =	sld [smem:$0x3FB4]  }
0x39: {  	_ = 	snop;
	(pc) =	sbr.ind lr, $3  }
0x3a: {  	_ = 	snop  }
0x3b: {  	_ = 	snop  }
0x3c: {  	p2 =	seq.s32 s10, $0x1;
	s10 =	sld [smem:$0x3FB3]  }
0x3d: {  	_ =	shalt  }
0x3e: {  	_ =	shalt  }
0x3f: {  	_ =	shalt  }
0x40: {  	_ =	shalt  }
0x41: {  	_ =	shalt  }
0x42: {  	_ =	shalt  }
0x43: {  	_ =	shalt  }
0x44: {  	_ =	shalt  }
0x45: {  	_ =	shalt  }
0x46: {  	_ =	shalt  }
0x47: {  	_ =	shalt  }
0x48: {  	_ =	shalt  }
0x49: {  	_ =	shalt  }
0x4a: {  	_ =	shalt  }
0x4b: {  	_ =	shalt  }
0x4c: {  	_ =	shalt  }
0x4d: {  	_ =	shalt  }
0x4e: {  	_ =	shalt  }
0x4f: {  	_ =	shalt  }
0x50: {  	_ =	shalt  }
0x51: {  	_ =	shalt  }
0x52: {  	_ =	shalt  }
0x53: {  	_ =	shalt  }
0x54: {  	_ =	shalt  }
0x55: {  	_ =	shalt  }
0x56: {  	_ =	shalt  }
0x57: {  	_ =	shalt  }
0x58: {  	_ =	shalt  }
0x59: {  	_ =	shalt  }
0x5a: {  	_ =	shalt  }
0x5b: {  	_ =	shalt  }
0x5c: {  	_ =	shalt  }
0x5d: {  	_ =	shalt  }
0x5e: {  	_ =	shalt  }
0x5f: {  	_ =	shalt  }
0x60: {  	_ =	shalt  }
0x61: {  	_ =	shalt  }
0x62: {  	_ =	shalt  }
0x63: {  	_ =	shalt  }
0x64: {  	_ =	shalt  }
0x65: {  	_ =	shalt  }
0x66: {  	_ =	shalt  }
0x67: {  	_ =	shalt  }
0x68: {  	_ =	shalt  }
0x69: {  	_ =	shalt  }
0x6a: {  	_ =	shalt  }
0x6b: {  	_ =	shalt  }
0x6c: {  	_ =	shalt  }
0x6d: {  	_ =	shalt  }
0x6e: {  	_ =	shalt  }
0x6f: {  	_ =	shalt  }
0x70: {  	_ =	shalt  }
0x71: {  	_ =	shalt  }
0x72: {  	_ =	shalt  }
0x73: {  	_ =	shalt  }
0x74: {  	_ =	shalt  }
0x75: {  	_ =	shalt  }
0x76: {  	_ =	shalt  }
0x77: {  	_ =	shalt  }
0x78: {  	_ =	shalt  }
0x79: {  	_ =	shalt  }
0x7a: {  	_ =	shalt  }
0x7b: {  	_ =	shalt  }
0x7c: {  	_ =	shalt  }
0x7d: {  	_ =	shalt  }
0x7e: {  	_ =	shalt  }
0x7f: {  	_ =	shalt  }
0x80: {  	_ =	shalt  }
0x81: {  	_ =	shalt  }
0x82: {  	_ =	shalt  }
0x83: {  	_ =	shalt  }
0x84: {  	_ =	shalt  }
0x85: {  	_ =	shalt  }
0x86: {  	_ =	shalt  }
0x87: {  	_ =	shalt  }
.Lfunc_end0:
.L_simem_size_0:
called_computation_lowered:
.L_overlay_start_0:
0x88: {  	s2 =	sld [smem:$0x3FD9]  }
0x89: {  	s3 =	sld [smem:$0x3FFE];
	_ =	sdelay $0x1  }
0x8a: {  	s1 =	srdreg.scid  }
0x8b: {  	s0 =	sand.u32 $0x1, s1  }
0x8c: {  	s17 =	sshll.u32 s0, $0xA;
	s2 =	sadd.s32 s3, s2  }
0x8d: {  	s2 =	sadd.s32 s2, s17  }
0x8e: {  	[smem:$0x3FBF] =	sst s2  }
0x8f: {  	_ = 	snop  }
0x90: {  	s2 =	sld [smem:$0x3FC9];
	(tm) =	ssettm $0x1  }
0x91: {  	s18 =	sld [smem:$0x3FFB];
	_ =	sdelay $0x3  }
0x92: {  	_ =	strace s18  }
0x93: {  	s3 =	sld [smem:$0x3FFC];
	_ =	sdelay $0x3  }
0x94: {  	_ =	strace s3  }
0x95: {  	s3 =	sld [smem:$0x3FFD];
	_ =	sdelay $0x3  }
0x96: {  	_ =	strace s3  }
0x97: {  	_ =	strace $0x8FFFFFFF  }
0x98: {  	s19 =	sld [smem:$0x3FDB];
	_ =	sdelay $0x1  }
0x99: {  	s4 =	simm.s32 $_scs_section_size  }
0x9a: {  	s5 =	simm.s32 $_size__tile_overlayer_lowered;
	s6 =	simm.s32 $_tile_overlayer_lowered  }
0x9b: {  	s22 =	simm.s32 $0x1BFF;
	s21 =	sshll.u32 s6, $0x1;
	s3 =	sadd.s32 s4, s19  }
0x9c: {  	s7 =	simm.s32 $0x0;
	s20 =	sshll.u32 s5, $0x1;
	s5 =	sadd.s32 s21, s3  }
0x9d: {  	[timem:s7], [sflag:s22] =	dma.local [hbm:s5], s20  }
0x9e: {  	_ =	swait.ge [sflag:s22], s20  }
0x9f: {  	s4 =	ssub.s32 $0x0, s20;
	[sflag:s22] =	ssyncset.done $0x0  }
0xa0: {  	[sflag:s22] =	ssyncadd.s32 s4;
	_ =	sdelay $0x1  }
0xa1: {  	s23 =	simm.s32 $0x1B8B  }
0xa2: {  	_ =	swait.ge [sflag:s23], $0x1  }
0xa3: {  	[sflag:s23] =	ssyncset.done $0x0  }
0xa4: {  	s25 =	simm.s32 $0x1B8E;
	s24 =	sld [smem:$0x3FFE];
	[sflag:s23] =	ssyncadd.s32 $0xFFFFFFFF  }
0xa5: {  	s26 =	simm.s32 $execute0_lowered;
	[smem:$0x3FD2] =	sst s25  }
0xa6: {  	s5 =	sshll.u32 s26, $0x1;
	_ =	strace $0x80000046;
	[dreg:$0x1] =	wrdreg $0xFFFFFFFF  }
0xa7: {  	s28 =	simm.s32 $_size_execute0_lowered;
	s3 =	sadd.s32 s3, s5;
	[dreg:$0x0] =	wrdreg $0x0  }
0xa8: {  	s5 =	sshll.u32 s28, $0x1;
	[dreg:$0x2] =	wrdreg s3  }
0xa9: {  	[dreg:$0x3] =	wrdreg s5  }
0xaa: {  	[dreg:$0x4] =	wrdreg $0xC0  }
0xab: {  	_ =	task [dreg:s7], $0x5FFFF  }
0xac: {  	[dreg:$0x1] =	wrdreg $0xFFFFFFFF  }
0xad: {  	[dreg:$0x0] =	wrdreg $0x60  }
0xae: {  	[dreg:$0x2] =	wrdreg s2  }
0xaf: {  	[dreg:$0x3] =	wrdreg s24  }
0xb0: {  	[dreg:$0x4] =	wrdreg $0x9  }
0xb1: {  	_ =	task.clear_ibuf [dreg:s7], $0x5FFFF;
	_ =	strace $0x90000046  }
0xb2: {  	s29 =	simm.s32 $0x9;
	_ =	strace $0x80000048  }
0xb3: {  	_ =	swait.ge [sflag:s29], $0x1  }
0xb4: {  	[sflag:s29] =	ssyncadd.s32 $0xFFFFFFFF  }
0xb5: {  	_ =	strace $0x90000048  }
0xb6: {  	_ =	sfence  }
0xb7: {  	s30 =	sld [smem:$0x0];
	_ =	sdelay $0x2  }
0xb8: {  	s31 =	sshll.u32 s1, $0xD;
	s1 =	sshrl.u32 s1, $0x2  }
0xb9: {  	s3 =	sand.u32 $0x4000, s31;
	s1 =	sadd.s32 s1, s30  }
0xba: {  	s0 =	sor.u32 s3, s0;
	s1 =	sshll.u32 s1, $0x11  }
0xbb: {  	s0 =	sor.u32 s1, s0  }
0xbc: {  	s0 =	sadd.s32 $0x8F2B, s0  }
0xbd: {  	[sflag:s0] =	ssyncadd.remote.s32 $0x1  }
0xbe: {  	_ =	sfence.sel $0xFFFF  }
0xbf: {  	[dreg:$0x0] =	wrdreg $0xFFFFFFFF;
	(pc) =	sbr.abs _section_cstart, $3  }
0xc0: {  	[dreg:$0x1] =	wrdreg $0xFFFFFFFF  }
0xc1: {  	_ =	task.clear_ibuf [dreg:s7], $0x2FFFF;
	_ =	strace $0x9FFFFFFF  }
0xc2: {  	(tm) =	ssettm $0x7FFFFFFF  }
0xc3: {  	_ =	shalt  }
tec
execute0_lowered:
.L_overlay_start_1:
0x0: {  	(tag) =	ssettag $0x1  }
0x1: {  	s0 =	rddreg [dreg:$0x0]  }
0x2: {  	s1 =	rddreg [dreg:$0x1];
	s2 =	srdreg.scid  }
0x3: {  	s3 =	stileid.u32;
	s29 =	simm.s32 $0x80;
	s30 =	simm.s32 $0x100  }
0x4: {  	s31 =	simm.s32 $0x180;
	s19 =	simm.s32 $0x1;
	s4 =	sand.u32 $0x1, s2  }
0x5: {  	s2 =	simm.s32 $0x0;
	s3 =	sshll.u32 s3, $0x8;
	s6 =	sadd.s32 $0x1C00, s1  }
0x6: {  	s5 =	sshll.u32 s4, $0x7;
	[smem:$0x7FF] =	sst s2;
	s4 =	ssub.s32 $0x2, s4  }
0x7: {  	s5 =	sor.u32 s5, s3;
	_ =	strace $0x80000047;
	[dreg:$0x8] =	wrdreg s29  }
0x8: {  	s3 =	sadd.s32 $0x2400, s1;
	s24 =	sshrl.u32 s4, $0x1;
	[dreg:$0x9] =	wrdreg s30  }
0x9: {  	[dreg:$0xa] =	wrdreg s31;
	s7 =	sor.u32 $0x40, s5;
	s8 =	sshrl.u32 s5, $0x3  }
0xa: {  	s5 =	sshll.u32 s5, $0x7;
	s4 =	ssub.s32 s4, s24;
	s10 =	sadd.s32 s6, s8  }
0xb: {  	s9 =	sshrl.u32 s7, $0x3;
	s5 =	sadd.s32 s0, s5;
	[dreg:$0xb] =	wrdreg s10  }
0xc: {  	s28 =	sshll.u32 s7, $0x7;
	s6 =	sadd.s32 s6, s9;
	[dreg:$0x6] =	wrdreg s5  }
0xd: {  	s7 =	sadd.s32 $0x2700, s1;
	s25 =	sadd.s32 $0x200, s10;
	[dreg:$0x3] =	wrdreg s6  }
0xe: {  	v2 =	vlaneseq.u32;
	s8 =	smax.u32 s4, $0x1;
	s26 =	sadd.s32 $0x208, s10;
	[dreg:$0x4] =	wrdreg s25  }
0xf: {  	vm0 =	vmmov $0xffff;
	v1 =	vshrl.u32 v2, $0x3;
	s0 =	sadd.s32 s0, s28;
	s5 =	sadd.s32 $0x2500, s1;
	[dreg:$0x5] =	wrdreg s26  }
0x10: {  	v0 =	vand.u32 $0x7, v2;
	v2 =	vor.u32 $0x8, v2;
	v1 =	vmul.u32 $0x8, v1;
	s9 =	simm.s32 $0x2;
	[dreg:$0x7] =	wrdreg s0;
	s6 =	sadd.s32 $0x2600, s1  }
.LBB2_1:
0x11: {  	s20 =	rddreg [dreg:$0xb]  }
0x12: {  	[tilespmem:s2], [sflag:$0x2] =	stream.linear.gather [hbm4b:s20+s2], $0x40, $0x38;
	[tilespmem:$0x10200] =	vst v63  }
0x13: {  	_ =	swait.ge [sflag:s9], $0x40  }
0x14: {  	s12 =	rddreg [dreg:$0x3];
	[sflag:s9] =	ssyncset.done $0x0  }
0x15: {  	s21 =	rddreg [dreg:$0x8];
	[sflag:s9] =	ssyncadd.s32 $0xFFFFFFC0  }
0x16: {  	[tilespmem:s21], [sflag:$0x2] =	stream.linear.gather [hbm4b:s12+s2], $0x40, $0x38;
	[tilespmem:$0x10200] =	vst v63  }
0x17: {  	_ =	swait.ge [sflag:s9], $0x40  }
0x18: {  	s13 =	rddreg [dreg:$0x4];
	[sflag:s9] =	ssyncset.done $0x0  }
0x19: {  	s14 =	rddreg [dreg:$0x9];
	[sflag:s9] =	ssyncadd.s32 $0xFFFFFFC0  }
0x1a: {  	[tilespmem:s14], [sflag:$0x2] =	stream.linear.gather [hbm4b:s13+s2], $0x40, $0x38;
	[tilespmem:$0x10200] =	vst v63  }
0x1b: {  	_ =	swait.ge [sflag:s9], $0x40  }
0x1c: {  	s15 =	rddreg [dreg:$0x5];
	[sflag:s9] =	ssyncset.done $0x0  }
0x1d: {  	s16 =	rddreg [dreg:$0xa];
	[sflag:s9] =	ssyncadd.s32 $0xFFFFFFC0  }
0x1e: {  	[tilespmem:s16], [sflag:$0x2] =	stream.linear.gather [hbm4b:s15+s2], $0x40, $0x38;
	[tilespmem:$0x10200] =	vst v63  }
0x1f: {  	_ =	swait.ge [sflag:s9], $0x40  }
0x20: {  	[sflag:s9] =	ssyncset.done $0x0  }
0x21: {  	s22 =	simm.s32 $0x200;
	s17 =	rddreg [dreg:$0x6];
	[sflag:s9] =	ssyncadd.s32 $0xFFFFFFC0  }
0x22: {  	[tilespmem:s22], [sflag:$0x2] =	stream.linear.gather [hbm4b:s17+s2], $0x10000, $0x38;
	[tilespmem:$0x10200] =	vst v63  }
0x23: {  	_ =	swait.ge [sflag:s9], $0x10000  }
0x24: {  	[sflag:s9] =	ssyncset.done $0x0  }
0x25: {  	[sflag:s9] =	ssyncadd.s32 $0xFFFF0000  }
0x26: {  	v3 =	vld [tilespmem:$0x0];
	_ =	sdelay $0x4  }
0x27: {  	v4 =	vshll.u32 v3, $0x3  }
0x28: {  	v3 =	vand.u32 $0x7, v3;
	v4 =	vand.u32 $0xFFFFFFC0, v4  }
0x29: {  	v3 =	vor.u32 v3, v4  }
0x2a: {  	v4 =	vperm.xlane v3, v0;
	_ =	sdelay $0x1  }
0x2b: {  	v4 =	vadd.s32 v1, v4;
	_ =	sdelay $0x4  }
0x2c: {  	[hbm4b:s3+s2] =	stream.indirect_vreg.scatter [tilespmem:s22], [sflag:$0x1], $0x80, v4, vm0, $0xb8;
	[tilespmem:$0x10200] =	vst v63  }
0x2d: {  	s0 =	simm.s32 $0xA00;
	v3 =	vperm.xlane v3, v2  }
0x2e: {  	[hbm4b:s5+s2] =	stream.indirect_vreg.scatter [tilespmem:s0], [sflag:$0x1], $0x80, v4, vm0, $0xb8;
	[tilespmem:$0x10200] =	vst v63  }
0x2f: {  	s18 =	simm.s32 $0x1200;
	v3 =	vadd.s32 v1, v3  }
0x30: {  	[hbm4b:s6+s2] =	stream.indirect_vreg.scatter [tilespmem:s18], [sflag:$0x1], $0x80, v4, vm0, $0xb8;
	[tilespmem:$0x10200] =	vst v63  }
0x31: {  	s20 =	simm.s32 $0x1A00  }
0x32: {  	[hbm4b:s7+s2] =	stream.indirect_vreg.scatter [tilespmem:s20], [sflag:$0x1], $0x80, v4, vm0, $0xb8;
	[tilespmem:$0x10200] =	vst v63  }
0x33: {  	s21 =	simm.s32 $0x2200  }
0x34: {  	[hbm4b:s3+s2] =	stream.indirect_vreg.scatter [tilespmem:s21], [sflag:$0x1], $0x80, v3, vm0, $0xb8;
	[tilespmem:$0x10200] =	vst v63  }
0x35: {  	s23 =	simm.s32 $0x2A00  }
0x36: {  	[hbm4b:s5+s2] =	stream.indirect_vreg.scatter [tilespmem:s23], [sflag:$0x1], $0x80, v3, vm0, $0xb8;
	[tilespmem:$0x10200] =	vst v63  }
0x37: {  	s24 =	simm.s32 $0x3200  }
0x38: {  	[hbm4b:s6+s2] =	stream.indirect_vreg.scatter [tilespmem:s24], [sflag:$0x1], $0x80, v3, vm0, $0xb8;
	[tilespmem:$0x10200] =	vst v63  }
0x39: {  	s25 =	simm.s32 $0x3A00  }
0x3a: {  	[hbm4b:s7+s2] =	stream.indirect_vreg.scatter [tilespmem:s25], [sflag:$0x1], $0x80, v3, vm0, $0xb8;
	[tilespmem:$0x10200] =	vst v63  }
0x3b: {  	v3 =	vld [tilespmem:$0x10];
	_ =	sdelay $0x4  }
0x3c: {  	v49 =	vshll.u32 v3, $0x3  }
0x3d: {  	v3 =	vand.u32 $0x7, v3;
	v4 =	vand.u32 $0xFFFFFFC0, v49  }
0x3e: {  	v3 =	vor.u32 v3, v4  }
0x3f: {  	v4 =	vperm.xlane v3, v0;
	_ =	sdelay $0x1  }
0x40: {  	v4 =	vadd.s32 v1, v4;
	_ =	sdelay $0x3  }
0x41: {  	s26 =	simm.s32 $0x4200  }
0x42: {  	[hbm4b:s3+s2] =	stream.indirect_vreg.scatter [tilespmem:s26], [sflag:$0x1], $0x80, v4, vm0, $0xb8;
	[tilespmem:$0x10200] =	vst v63  }
0x43: {  	s28 =	simm.s32 $0x4A00;
	v3 =	vperm.xlane v3, v2  }
0x44: {  	[hbm4b:s5+s2] =	stream.indirect_vreg.scatter [tilespmem:s28], [sflag:$0x1], $0x80, v4, vm0, $0xb8;
	[tilespmem:$0x10200] =	vst v63  }
0x45: {  	s29 =	simm.s32 $0x5200;
	v3 =	vadd.s32 v1, v3  }
0x46: {  	[hbm4b:s6+s2] =	stream.indirect_vreg.scatter [tilespmem:s29], [sflag:$0x1], $0x80, v4, vm0, $0xb8;
	[tilespmem:$0x10200] =	vst v63  }
0x47: {  	s1 =	simm.s32 $0x5A00  }
0x48: {  	[hbm4b:s7+s2] =	stream.indirect_vreg.scatter [tilespmem:s1], [sflag:$0x1], $0x80, v4, vm0, $0xb8;
	[tilespmem:$0x10200] =	vst v63  }
0x49: {  	s4 =	simm.s32 $0x6200  }
0x4a: {  	[hbm4b:s3+s2] =	stream.indirect_vreg.scatter [tilespmem:s4], [sflag:$0x1], $0x80, v3, vm0, $0xb8;
	[tilespmem:$0x10200] =	vst v63  }
0x4b: {  	s30 =	simm.s32 $0x6A00  }
0x4c: {  	[hbm4b:s5+s2] =	stream.indirect_vreg.scatter [tilespmem:s30], [sflag:$0x1], $0x80, v3, vm0, $0xb8;
	[tilespmem:$0x10200] =	vst v63  }
0x4d: {  	s31 =	simm.s32 $0x7200  }
0x4e: {  	[hbm4b:s6+s2] =	stream.indirect_vreg.scatter [tilespmem:s31], [sflag:$0x1], $0x80, v3, vm0, $0xb8;
	[tilespmem:$0x10200] =	vst v63  }
0x4f: {  	s0 =	simm.s32 $0x7A00  }
0x50: {  	[hbm4b:s7+s2] =	stream.indirect_vreg.scatter [tilespmem:s0], [sflag:$0x1], $0x80, v3, vm0, $0xb8;
	[tilespmem:$0x10200] =	vst v63  }
0x51: {  	v3 =	vld [tilespmem:$0x20];
	_ =	sdelay $0x4  }
0x52: {  	v50 =	vshll.u32 v3, $0x3  }
0x53: {  	v3 =	vand.u32 $0x7, v3;
	v4 =	vand.u32 $0xFFFFFFC0, v50  }
0x54: {  	v3 =	vor.u32 v3, v4  }
0x55: {  	v4 =	vperm.xlane v3, v0;
	_ =	sdelay $0x1  }
0x56: {  	v4 =	vadd.s32 v1, v4;
	_ =	sdelay $0x3  }
0x57: {  	s17 =	simm.s32 $0x8200  }
0x58: {  	[hbm4b:s3+s2] =	stream.indirect_vreg.scatter [tilespmem:s17], [sflag:$0x1], $0x80, v4, vm0, $0xb8;
	[tilespmem:$0x10200] =	vst v63  }
0x59: {  	s18 =	simm.s32 $0x8A00;
	v3 =	vperm.xlane v3, v2  }
0x5a: {  	[hbm4b:s5+s2] =	stream.indirect_vreg.scatter [tilespmem:s18], [sflag:$0x1], $0x80, v4, vm0, $0xb8;
	[tilespmem:$0x10200] =	vst v63  }
0x5b: {  	s20 =	simm.s32 $0x9200;
	v3 =	vadd.s32 v1, v3  }
0x5c: {  	[hbm4b:s6+s2] =	stream.indirect_vreg.scatter [tilespmem:s20], [sflag:$0x1], $0x80, v4, vm0, $0xb8;
	[tilespmem:$0x10200] =	vst v63  }
0x5d: {  	s21 =	simm.s32 $0x9A00  }
0x5e: {  	[hbm4b:s7+s2] =	stream.indirect_vreg.scatter [tilespmem:s21], [sflag:$0x1], $0x80, v4, vm0, $0xb8;
	[tilespmem:$0x10200] =	vst v63  }
0x5f: {  	s23 =	simm.s32 $0xA200  }
0x60: {  	[hbm4b:s3+s2] =	stream.indirect_vreg.scatter [tilespmem:s23], [sflag:$0x1], $0x80, v3, vm0, $0xb8;
	[tilespmem:$0x10200] =	vst v63  }
0x61: {  	s24 =	simm.s32 $0xAA00  }
0x62: {  	[hbm4b:s5+s2] =	stream.indirect_vreg.scatter [tilespmem:s24], [sflag:$0x1], $0x80, v3, vm0, $0xb8;
	[tilespmem:$0x10200] =	vst v63  }
0x63: {  	s25 =	simm.s32 $0xB200  }
0x64: {  	[hbm4b:s6+s2] =	stream.indirect_vreg.scatter [tilespmem:s25], [sflag:$0x1], $0x80, v3, vm0, $0xb8;
	[tilespmem:$0x10200] =	vst v63  }
0x65: {  	s26 =	simm.s32 $0xBA00  }
0x66: {  	[hbm4b:s7+s2] =	stream.indirect_vreg.scatter [tilespmem:s26], [sflag:$0x1], $0x80, v3, vm0, $0xb8;
	[tilespmem:$0x10200] =	vst v63  }
0x67: {  	v3 =	vld [tilespmem:$0x30];
	_ =	sdelay $0x4  }
0x68: {  	v51 =	vshll.u32 v3, $0x3  }
0x69: {  	v3 =	vand.u32 $0x7, v3;
	v4 =	vand.u32 $0xFFFFFFC0, v51  }
0x6a: {  	v3 =	vor.u32 v3, v4  }
0x6b: {  	v4 =	vperm.xlane v3, v0;
	_ =	sdelay $0x1  }
0x6c: {  	v4 =	vadd.s32 v1, v4;
	_ =	sdelay $0x3  }
0x6d: {  	s28 =	simm.s32 $0xC200  }
0x6e: {  	[hbm4b:s3+s2] =	stream.indirect_vreg.scatter [tilespmem:s28], [sflag:$0x1], $0x80, v4, vm0, $0xb8;
	[tilespmem:$0x10200] =	vst v63  }
0x6f: {  	s29 =	simm.s32 $0xCA00;
	v3 =	vperm.xlane v3, v2  }
0x70: {  	[hbm4b:s5+s2] =	stream.indirect_vreg.scatter [tilespmem:s29], [sflag:$0x1], $0x80, v4, vm0, $0xb8;
	[tilespmem:$0x10200] =	vst v63  }
0x71: {  	s31 =	simm.s32 $0xD200;
	v3 =	vadd.s32 v1, v3  }
0x72: {  	[hbm4b:s6+s2] =	stream.indirect_vreg.scatter [tilespmem:s31], [sflag:$0x1], $0x80, v4, vm0, $0xb8;
	[tilespmem:$0x10200] =	vst v63  }
0x73: {  	s0 =	simm.s32 $0xDA00  }
0x74: {  	[hbm4b:s7+s2] =	stream.indirect_vreg.scatter [tilespmem:s0], [sflag:$0x1], $0x80, v4, vm0, $0xb8;
	[tilespmem:$0x10200] =	vst v63  }
0x75: {  	s4 =	simm.s32 $0xE200  }
0x76: {  	[hbm4b:s3+s2] =	stream.indirect_vreg.scatter [tilespmem:s4], [sflag:$0x1], $0x80, v3, vm0, $0xb8;
	[tilespmem:$0x10200] =	vst v63  }
0x77: {  	s17 =	simm.s32 $0xEA00  }
0x78: {  	[hbm4b:s5+s2] =	stream.indirect_vreg.scatter [tilespmem:s17], [sflag:$0x1], $0x80, v3, vm0, $0xb8;
	[tilespmem:$0x10200] =	vst v63  }
0x79: {  	s18 =	simm.s32 $0xF200  }
0x7a: {  	[hbm4b:s6+s2] =	stream.indirect_vreg.scatter [tilespmem:s18], [sflag:$0x1], $0x80, v3, vm0, $0xb8;
	[tilespmem:$0x10200] =	vst v63  }
0x7b: {  	s21 =	simm.s32 $0xFA00  }
0x7c: {  	[hbm4b:s7+s2] =	stream.indirect_vreg.scatter [tilespmem:s21], [sflag:$0x1], $0x80, v3, vm0, $0xb8;
	[tilespmem:$0x10200] =	vst v63  }
0x7d: {  	v3 =	vld [tilespmem:$0x100];
	_ =	sdelay $0x4  }
0x7e: {  	v52 =	vshll.u32 v3, $0x3  }
0x7f: {  	v3 =	vand.u32 $0x7, v3;
	v4 =	vand.u32 $0xFFFFFFC0, v52  }
0x80: {  	v3 =	vor.u32 v3, v4  }
0x81: {  	v4 =	vperm.xlane v3, v0;
	_ =	sdelay $0x1  }
0x82: {  	v4 =	vadd.s32 v1, v4;
	_ =	sdelay $0x4  }
0x83: {  	[hbm4b:s3+s2] =	stream.indirect_vreg.scatter [tilespmem:s22], [sflag:$0x1], $0x80, v4, vm0, $0xb8;
	[tilespmem:$0x10200] =	vst v63  }
0x84: {  	s15 =	simm.s32 $0xA00;
	v3 =	vperm.xlane v3, v2  }
0x85: {  	[hbm4b:s5+s2] =	stream.indirect_vreg.scatter [tilespmem:s15], [sflag:$0x1], $0x80, v4, vm0, $0xb8;
	[tilespmem:$0x10200] =	vst v63  }
0x86: {  	s10 =	simm.s32 $0x1200;
	v3 =	vadd.s32 v1, v3  }
0x87: {  	[hbm4b:s6+s2] =	stream.indirect_vreg.scatter [tilespmem:s10], [sflag:$0x1], $0x80, v4, vm0, $0xb8;
	[tilespmem:$0x10200] =	vst v63  }
0x88: {  	s11 =	simm.s32 $0x1A00  }
0x89: {  	[hbm4b:s7+s2] =	stream.indirect_vreg.scatter [tilespmem:s11], [sflag:$0x1], $0x80, v4, vm0, $0xb8;
	[tilespmem:$0x10200] =	vst v63  }
0x8a: {  	s12 =	simm.s32 $0x2200  }
0x8b: {  	[hbm4b:s3+s2] =	stream.indirect_vreg.scatter [tilespmem:s12], [sflag:$0x1], $0x80, v3, vm0, $0xb8;
	[tilespmem:$0x10200] =	vst v63  }
0x8c: {  	s13 =	simm.s32 $0x2A00  }
0x8d: {  	[hbm4b:s5+s2] =	stream.indirect_vreg.scatter [tilespmem:s13], [sflag:$0x1], $0x80, v3, vm0, $0xb8;
	[tilespmem:$0x10200] =	vst v63  }
0x8e: {  	s14 =	simm.s32 $0x3200  }
0x8f: {  	[hbm4b:s6+s2] =	stream.indirect_vreg.scatter [tilespmem:s14], [sflag:$0x1], $0x80, v3, vm0, $0xb8;
	[tilespmem:$0x10200] =	vst v63  }
0x90: {  	s16 =	simm.s32 $0x3A00  }
0x91: {  	[hbm4b:s7+s2] =	stream.indirect_vreg.scatter [tilespmem:s16], [sflag:$0x1], $0x80, v3, vm0, $0xb8;
	[tilespmem:$0x10200] =	vst v63  }
0x92: {  	v3 =	vld [tilespmem:$0x110];
	_ =	sdelay $0x4  }
0x93: {  	v53 =	vshll.u32 v3, $0x3  }
0x94: {  	v3 =	vand.u32 $0x7, v3;
	v4 =	vand.u32 $0xFFFFFFC0, v53  }
0x95: {  	v3 =	vor.u32 v3, v4  }
0x96: {  	v4 =	vperm.xlane v3, v0;
	_ =	sdelay $0x1  }
0x97: {  	v4 =	vadd.s32 v1, v4;
	_ =	sdelay $0x3  }
0x98: {  	s17 =	simm.s32 $0x4200  }
0x99: {  	[hbm4b:s3+s2] =	stream.indirect_vreg.scatter [tilespmem:s17], [sflag:$0x1], $0x80, v4, vm0, $0xb8;
	[tilespmem:$0x10200] =	vst v63  }
0x9a: {  	s18 =	simm.s32 $0x4A00;
	v3 =	vperm.xlane v3, v2  }
0x9b: {  	[hbm4b:s5+s2] =	stream.indirect_vreg.scatter [tilespmem:s18], [sflag:$0x1], $0x80, v4, vm0, $0xb8;
	[tilespmem:$0x10200] =	vst v63  }
0x9c: {  	s21 =	simm.s32 $0x5200;
	v3 =	vadd.s32 v1, v3  }
0x9d: {  	[hbm4b:s6+s2] =	stream.indirect_vreg.scatter [tilespmem:s21], [sflag:$0x1], $0x80, v4, vm0, $0xb8;
	[tilespmem:$0x10200] =	vst v63  }
0x9e: {  	s1 =	simm.s32 $0x5A00  }
0x9f: {  	[hbm4b:s7+s2] =	stream.indirect_vreg.scatter [tilespmem:s1], [sflag:$0x1], $0x80, v4, vm0, $0xb8;
	[tilespmem:$0x10200] =	vst v63  }
0xa0: {  	s0 =	simm.s32 $0x6200  }
0xa1: {  	[hbm4b:s3+s2] =	stream.indirect_vreg.scatter [tilespmem:s0], [sflag:$0x1], $0x80, v3, vm0, $0xb8;
	[tilespmem:$0x10200] =	vst v63  }
0xa2: {  	s1 =	simm.s32 $0x6A00  }
0xa3: {  	[hbm4b:s5+s2] =	stream.indirect_vreg.scatter [tilespmem:s1], [sflag:$0x1], $0x80, v3, vm0, $0xb8;
	[tilespmem:$0x10200] =	vst v63  }
0xa4: {  	s4 =	simm.s32 $0x7200  }
0xa5: {  	[hbm4b:s6+s2] =	stream.indirect_vreg.scatter [tilespmem:s4], [sflag:$0x1], $0x80, v3, vm0, $0xb8;
	[tilespmem:$0x10200] =	vst v63  }
0xa6: {  	s14 =	simm.s32 $0x7A00  }
0xa7: {  	[hbm4b:s7+s2] =	stream.indirect_vreg.scatter [tilespmem:s14], [sflag:$0x1], $0x80, v3, vm0, $0xb8;
	[tilespmem:$0x10200] =	vst v63  }
0xa8: {  	v3 =	vld [tilespmem:$0x120];
	_ =	sdelay $0x4  }
0xa9: {  	v54 =	vshll.u32 v3, $0x3  }
0xaa: {  	v3 =	vand.u32 $0x7, v3;
	v4 =	vand.u32 $0xFFFFFFC0, v54  }
0xab: {  	v3 =	vor.u32 v3, v4  }
0xac: {  	v4 =	vperm.xlane v3, v0;
	_ =	sdelay $0x1  }
0xad: {  	v4 =	vadd.s32 v1, v4;
	_ =	sdelay $0x3  }
0xae: {  	s15 =	simm.s32 $0x8200  }
0xaf: {  	[hbm4b:s3+s2] =	stream.indirect_vreg.scatter [tilespmem:s15], [sflag:$0x1], $0x80, v4, vm0, $0xb8;
	[tilespmem:$0x10200] =	vst v63  }
0xb0: {  	s16 =	simm.s32 $0x8A00;
	v3 =	vperm.xlane v3, v2  }
0xb1: {  	[hbm4b:s5+s2] =	stream.indirect_vreg.scatter [tilespmem:s16], [sflag:$0x1], $0x80, v4, vm0, $0xb8;
	[tilespmem:$0x10200] =	vst v63  }
0xb2: {  	s10 =	simm.s32 $0x9200;
	v3 =	vadd.s32 v1, v3  }
0xb3: {  	[hbm4b:s6+s2] =	stream.indirect_vreg.scatter [tilespmem:s10], [sflag:$0x1], $0x80, v4, vm0, $0xb8;
	[tilespmem:$0x10200] =	vst v63  }
0xb4: {  	s11 =	simm.s32 $0x9A00  }
0xb5: {  	[hbm4b:s7+s2] =	stream.indirect_vreg.scatter [tilespmem:s11], [sflag:$0x1], $0x80, v4, vm0, $0xb8;
	[tilespmem:$0x10200] =	vst v63  }
0xb6: {  	s12 =	simm.s32 $0xA200  }
0xb7: {  	[hbm4b:s3+s2] =	stream.indirect_vreg.scatter [tilespmem:s12], [sflag:$0x1], $0x80, v3, vm0, $0xb8;
	[tilespmem:$0x10200] =	vst v63  }
0xb8: {  	s13 =	simm.s32 $0xAA00  }
0xb9: {  	[hbm4b:s5+s2] =	stream.indirect_vreg.scatter [tilespmem:s13], [sflag:$0x1], $0x80, v3, vm0, $0xb8;
	[tilespmem:$0x10200] =	vst v63  }
0xba: {  	s30 =	simm.s32 $0xB200  }
0xbb: {  	[hbm4b:s6+s2] =	stream.indirect_vreg.scatter [tilespmem:s30], [sflag:$0x1], $0x80, v3, vm0, $0xb8;
	[tilespmem:$0x10200] =	vst v63  }
0xbc: {  	s23 =	simm.s32 $0xBA00  }
0xbd: {  	[hbm4b:s7+s2] =	stream.indirect_vreg.scatter [tilespmem:s23], [sflag:$0x1], $0x80, v3, vm0, $0xb8;
	[tilespmem:$0x10200] =	vst v63  }
0xbe: {  	v3 =	vld [tilespmem:$0x130];
	_ =	sdelay $0x4  }
0xbf: {  	v55 =	vshll.u32 v3, $0x3  }
0xc0: {  	v3 =	vand.u32 $0x7, v3;
	v4 =	vand.u32 $0xFFFFFFC0, v55  }
0xc1: {  	v3 =	vor.u32 v3, v4  }
0xc2: {  	v4 =	vperm.xlane v3, v0;
	_ =	sdelay $0x1  }
0xc3: {  	v4 =	vadd.s32 v1, v4;
	_ =	sdelay $0x3  }
0xc4: {  	s24 =	simm.s32 $0xC200  }
0xc5: {  	[hbm4b:s3+s2] =	stream.indirect_vreg.scatter [tilespmem:s24], [sflag:$0x1], $0x80, v4, vm0, $0xb8;
	[tilespmem:$0x10200] =	vst v63  }
0xc6: {  	s25 =	simm.s32 $0xCA00;
	v3 =	vperm.xlane v3, v2  }
0xc7: {  	[hbm4b:s5+s2] =	stream.indirect_vreg.scatter [tilespmem:s25], [sflag:$0x1], $0x80, v4, vm0, $0xb8;
	[tilespmem:$0x10200] =	vst v63  }
0xc8: {  	s31 =	simm.s32 $0xD200;
	v3 =	vadd.s32 v1, v3  }
0xc9: {  	[hbm4b:s6+s2] =	stream.indirect_vreg.scatter [tilespmem:s31], [sflag:$0x1], $0x80, v4, vm0, $0xb8;
	[tilespmem:$0x10200] =	vst v63  }
0xca: {  	s29 =	simm.s32 $0xDA00  }
0xcb: {  	[hbm4b:s7+s2] =	stream.indirect_vreg.scatter [tilespmem:s29], [sflag:$0x1], $0x80, v4, vm0, $0xb8;
	[tilespmem:$0x10200] =	vst v63  }
0xcc: {  	s31 =	simm.s32 $0xE200  }
0xcd: {  	[hbm4b:s3+s2] =	stream.indirect_vreg.scatter [tilespmem:s31], [sflag:$0x1], $0x80, v3, vm0, $0xb8;
	[tilespmem:$0x10200] =	vst v63  }
0xce: {  	s26 =	simm.s32 $0xEA00  }
0xcf: {  	[hbm4b:s5+s2] =	stream.indirect_vreg.scatter [tilespmem:s26], [sflag:$0x1], $0x80, v3, vm0, $0xb8;
	[tilespmem:$0x10200] =	vst v63  }
0xd0: {  	s28 =	simm.s32 $0xF200  }
0xd1: {  	[hbm4b:s6+s2] =	stream.indirect_vreg.scatter [tilespmem:s28], [sflag:$0x1], $0x80, v3, vm0, $0xb8;
	[tilespmem:$0x10200] =	vst v63  }
0xd2: {  	s20 =	simm.s32 $0xFA00  }
0xd3: {  	[hbm4b:s7+s2] =	stream.indirect_vreg.scatter [tilespmem:s20], [sflag:$0x1], $0x80, v3, vm0, $0xb8;
	[tilespmem:$0x10200] =	vst v63  }
0xd4: {  	_ =	swait.ge [sflag:s19], $0x10000  }
0xd5: {  	[sflag:s19] =	ssyncset.done $0x0  }
0xd6: {  	[sflag:s19] =	ssyncadd.s32 $0xFFFF0000  }
0xd7: {  	_ =	swait.ge [sflag:s19], $0x10000  }
0xd8: {  	[sflag:s19] =	ssyncset.done $0x0  }
0xd9: {  	s24 =	rddreg [dreg:$0x7];
	[sflag:s19] =	ssyncadd.s32 $0xFFFF0000  }
0xda: {  	[tilespmem:s22], [sflag:$0x2] =	stream.linear.gather [hbm4b:s24+s2], $0x10000, $0x38;
	[tilespmem:$0x10200] =	vst v63  }
0xdb: {  	_ =	swait.ge [sflag:s9], $0x10000  }
0xdc: {  	[sflag:s9] =	ssyncset.done $0x0  }
0xdd: {  	[sflag:s9] =	ssyncadd.s32 $0xFFFF0000  }
0xde: {  	v3 =	vld [tilespmem:$0x80];
	_ =	sdelay $0x4  }
0xdf: {  	v56 =	vshll.u32 v3, $0x3  }
0xe0: {  	v3 =	vand.u32 $0x7, v3;
	v4 =	vand.u32 $0xFFFFFFC0, v56  }
0xe1: {  	v3 =	vor.u32 v3, v4  }
0xe2: {  	v4 =	vperm.xlane v3, v0;
	_ =	sdelay $0x1  }
0xe3: {  	v4 =	vadd.s32 v1, v4;
	_ =	sdelay $0x4  }
0xe4: {  	[hbm4b:s3+s2] =	stream.indirect_vreg.scatter [tilespmem:s22], [sflag:$0x1], $0x80, v4, vm0, $0xb8;
	[tilespmem:$0x10200] =	vst v63  }
0xe5: {  	s28 =	simm.s32 $0xA00;
	v3 =	vperm.xlane v3, v2  }
0xe6: {  	[hbm4b:s5+s2] =	stream.indirect_vreg.scatter [tilespmem:s28], [sflag:$0x1], $0x80, v4, vm0, $0xb8;
	[tilespmem:$0x10200] =	vst v63  }
0xe7: {  	s29 =	simm.s32 $0x1200;
	v3 =	vadd.s32 v1, v3  }
0xe8: {  	[hbm4b:s6+s2] =	stream.indirect_vreg.scatter [tilespmem:s29], [sflag:$0x1], $0x80, v4, vm0, $0xb8;
	[tilespmem:$0x10200] =	vst v63  }
0xe9: {  	s31 =	simm.s32 $0x1A00  }
0xea: {  	[hbm4b:s7+s2] =	stream.indirect_vreg.scatter [tilespmem:s31], [sflag:$0x1], $0x80, v4, vm0, $0xb8;
	[tilespmem:$0x10200] =	vst v63  }
0xeb: {  	s28 =	simm.s32 $0x2200  }
0xec: {  	[hbm4b:s3+s2] =	stream.indirect_vreg.scatter [tilespmem:s28], [sflag:$0x1], $0x80, v3, vm0, $0xb8;
	[tilespmem:$0x10200] =	vst v63  }
0xed: {  	s31 =	simm.s32 $0x2A00  }
0xee: {  	[hbm4b:s5+s2] =	stream.indirect_vreg.scatter [tilespmem:s31], [sflag:$0x1], $0x80, v3, vm0, $0xb8;
	[tilespmem:$0x10200] =	vst v63  }
0xef: {  	s28 =	simm.s32 $0x3200  }
0xf0: {  	[hbm4b:s6+s2] =	stream.indirect_vreg.scatter [tilespmem:s28], [sflag:$0x1], $0x80, v3, vm0, $0xb8;
	[tilespmem:$0x10200] =	vst v63  }
0xf1: {  	s31 =	simm.s32 $0x3A00  }
0xf2: {  	[hbm4b:s7+s2] =	stream.indirect_vreg.scatter [tilespmem:s31], [sflag:$0x1], $0x80, v3, vm0, $0xb8;
	[tilespmem:$0x10200] =	vst v63  }
0xf3: {  	v3 =	vld [tilespmem:$0x90];
	_ =	sdelay $0x4  }
0xf4: {  	v57 =	vshll.u32 v3, $0x3  }
0xf5: {  	v3 =	vand.u32 $0x7, v3;
	v4 =	vand.u32 $0xFFFFFFC0, v57  }
0xf6: {  	v3 =	vor.u32 v3, v4  }
0xf7: {  	v4 =	vperm.xlane v3, v0;
	_ =	sdelay $0x1  }
0xf8: {  	v4 =	vadd.s32 v1, v4;
	_ =	sdelay $0x4  }
0xf9: {  	[hbm4b:s3+s2] =	stream.indirect_vreg.scatter [tilespmem:s17], [sflag:$0x1], $0x80, v4, vm0, $0xb8;
	[tilespmem:$0x10200] =	vst v63  }
0xfa: {  	v3 =	vperm.xlane v3, v2  }
0xfb: {  	[hbm4b:s5+s2] =	stream.indirect_vreg.scatter [tilespmem:s18], [sflag:$0x1], $0x80, v4, vm0, $0xb8;
	[tilespmem:$0x10200] =	vst v63  }
0xfc: {  	v3 =	vadd.s32 v1, v3  }
0xfd: {  	[hbm4b:s6+s2] =	stream.indirect_vreg.scatter [tilespmem:s21], [sflag:$0x1], $0x80, v4, vm0, $0xb8;
	[tilespmem:$0x10200] =	vst v63  }
0xfe: {  	s20 =	simm.s32 $0x5A00  }
0xff: {  	[hbm4b:s7+s2] =	stream.indirect_vreg.scatter [tilespmem:s20], [sflag:$0x1], $0x80, v4, vm0, $0xb8;
	[tilespmem:$0x10200] =	vst v63  }
0x100: {  	_ = 	snop  }
0x101: {  	[hbm4b:s3+s2] =	stream.indirect_vreg.scatter [tilespmem:s0], [sflag:$0x1], $0x80, v3, vm0, $0xb8;
	[tilespmem:$0x10200] =	vst v63  }
0x102: {  	_ = 	snop  }
0x103: {  	[hbm4b:s5+s2] =	stream.indirect_vreg.scatter [tilespmem:s1], [sflag:$0x1], $0x80, v3, vm0, $0xb8;
	[tilespmem:$0x10200] =	vst v63  }
0x104: {  	_ = 	snop  }
0x105: {  	[hbm4b:s6+s2] =	stream.indirect_vreg.scatter [tilespmem:s4], [sflag:$0x1], $0x80, v3, vm0, $0xb8;
	[tilespmem:$0x10200] =	vst v63  }
0x106: {  	_ = 	snop  }
0x107: {  	[hbm4b:s7+s2] =	stream.indirect_vreg.scatter [tilespmem:s14], [sflag:$0x1], $0x80, v3, vm0, $0xb8;
	[tilespmem:$0x10200] =	vst v63  }
0x108: {  	v3 =	vld [tilespmem:$0xA0];
	_ =	sdelay $0x4  }
0x109: {  	v58 =	vshll.u32 v3, $0x3  }
0x10a: {  	v3 =	vand.u32 $0x7, v3;
	v4 =	vand.u32 $0xFFFFFFC0, v58  }
0x10b: {  	v3 =	vor.u32 v3, v4  }
0x10c: {  	v4 =	vperm.xlane v3, v0;
	_ =	sdelay $0x1  }
0x10d: {  	v4 =	vadd.s32 v1, v4;
	_ =	sdelay $0x4  }
0x10e: {  	[hbm4b:s3+s2] =	stream.indirect_vreg.scatter [tilespmem:s15], [sflag:$0x1], $0x80, v4, vm0, $0xb8;
	[tilespmem:$0x10200] =	vst v63  }
0x10f: {  	v3 =	vperm.xlane v3, v2  }
0x110: {  	[hbm4b:s5+s2] =	stream.indirect_vreg.scatter [tilespmem:s16], [sflag:$0x1], $0x80, v4, vm0, $0xb8;
	[tilespmem:$0x10200] =	vst v63  }
0x111: {  	v3 =	vadd.s32 v1, v3  }
0x112: {  	[hbm4b:s6+s2] =	stream.indirect_vreg.scatter [tilespmem:s10], [sflag:$0x1], $0x80, v4, vm0, $0xb8;
	[tilespmem:$0x10200] =	vst v63  }
0x113: {  	_ = 	snop  }
0x114: {  	[hbm4b:s7+s2] =	stream.indirect_vreg.scatter [tilespmem:s11], [sflag:$0x1], $0x80, v4, vm0, $0xb8;
	[tilespmem:$0x10200] =	vst v63  }
0x115: {  	_ = 	snop  }
0x116: {  	[hbm4b:s3+s2] =	stream.indirect_vreg.scatter [tilespmem:s12], [sflag:$0x1], $0x80, v3, vm0, $0xb8;
	[tilespmem:$0x10200] =	vst v63  }
0x117: {  	_ = 	snop  }
0x118: {  	[hbm4b:s5+s2] =	stream.indirect_vreg.scatter [tilespmem:s13], [sflag:$0x1], $0x80, v3, vm0, $0xb8;
	[tilespmem:$0x10200] =	vst v63  }
0x119: {  	s30 =	simm.s32 $0xB200  }
0x11a: {  	[hbm4b:s6+s2] =	stream.indirect_vreg.scatter [tilespmem:s30], [sflag:$0x1], $0x80, v3, vm0, $0xb8;
	[tilespmem:$0x10200] =	vst v63  }
0x11b: {  	s11 =	simm.s32 $0xBA00  }
0x11c: {  	[hbm4b:s7+s2] =	stream.indirect_vreg.scatter [tilespmem:s11], [sflag:$0x1], $0x80, v3, vm0, $0xb8;
	[tilespmem:$0x10200] =	vst v63  }
0x11d: {  	v3 =	vld [tilespmem:$0xB0];
	_ =	sdelay $0x4  }
0x11e: {  	v59 =	vshll.u32 v3, $0x3  }
0x11f: {  	v3 =	vand.u32 $0x7, v3;
	v4 =	vand.u32 $0xFFFFFFC0, v59  }
0x120: {  	v3 =	vor.u32 v3, v4  }
0x121: {  	v4 =	vperm.xlane v3, v0;
	_ =	sdelay $0x1  }
0x122: {  	v4 =	vadd.s32 v1, v4;
	_ =	sdelay $0x3  }
0x123: {  	s4 =	simm.s32 $0xC200  }
0x124: {  	[hbm4b:s3+s2] =	stream.indirect_vreg.scatter [tilespmem:s4], [sflag:$0x1], $0x80, v4, vm0, $0xb8;
	[tilespmem:$0x10200] =	vst v63  }
0x125: {  	s10 =	simm.s32 $0xCA00;
	v3 =	vperm.xlane v3, v2  }
0x126: {  	[hbm4b:s5+s2] =	stream.indirect_vreg.scatter [tilespmem:s10], [sflag:$0x1], $0x80, v4, vm0, $0xb8;
	[tilespmem:$0x10200] =	vst v63  }
0x127: {  	s23 =	simm.s32 $0xD200;
	v3 =	vadd.s32 v1, v3  }
0x128: {  	[hbm4b:s6+s2] =	stream.indirect_vreg.scatter [tilespmem:s23], [sflag:$0x1], $0x80, v4, vm0, $0xb8;
	[tilespmem:$0x10200] =	vst v63  }
0x129: {  	s0 =	simm.s32 $0xDA00  }
0x12a: {  	[hbm4b:s7+s2] =	stream.indirect_vreg.scatter [tilespmem:s0], [sflag:$0x1], $0x80, v4, vm0, $0xb8;
	[tilespmem:$0x10200] =	vst v63  }
0x12b: {  	s11 =	simm.s32 $0xE200  }
0x12c: {  	[hbm4b:s3+s2] =	stream.indirect_vreg.scatter [tilespmem:s11], [sflag:$0x1], $0x80, v3, vm0, $0xb8;
	[tilespmem:$0x10200] =	vst v63  }
0x12d: {  	s25 =	simm.s32 $0xEA00  }
0x12e: {  	[hbm4b:s5+s2] =	stream.indirect_vreg.scatter [tilespmem:s25], [sflag:$0x1], $0x80, v3, vm0, $0xb8;
	[tilespmem:$0x10200] =	vst v63  }
0x12f: {  	s26 =	simm.s32 $0xF200  }
0x130: {  	[hbm4b:s6+s2] =	stream.indirect_vreg.scatter [tilespmem:s26], [sflag:$0x1], $0x80, v3, vm0, $0xb8;
	[tilespmem:$0x10200] =	vst v63  }
0x131: {  	s1 =	simm.s32 $0xFA00  }
0x132: {  	[hbm4b:s7+s2] =	stream.indirect_vreg.scatter [tilespmem:s1], [sflag:$0x1], $0x80, v3, vm0, $0xb8;
	[tilespmem:$0x10200] =	vst v63  }
0x133: {  	v3 =	vld [tilespmem:$0x180];
	_ =	sdelay $0x4  }
0x134: {  	v60 =	vshll.u32 v3, $0x3  }
0x135: {  	v3 =	vand.u32 $0x7, v3;
	v4 =	vand.u32 $0xFFFFFFC0, v60  }
0x136: {  	v3 =	vor.u32 v3, v4  }
0x137: {  	v4 =	vperm.xlane v3, v0;
	_ =	sdelay $0x1  }
0x138: {  	v4 =	vadd.s32 v1, v4;
	_ =	sdelay $0x4  }
0x139: {  	[hbm4b:s3+s2] =	stream.indirect_vreg.scatter [tilespmem:s22], [sflag:$0x1], $0x80, v4, vm0, $0xb8;
	[tilespmem:$0x10200] =	vst v63  }
0x13a: {  	v3 =	vperm.xlane v3, v2;
	s22 =	simm.s32 $0xA00  }
0x13b: {  	[hbm4b:s5+s2] =	stream.indirect_vreg.scatter [tilespmem:s22], [sflag:$0x1], $0x80, v4, vm0, $0xb8;
	[tilespmem:$0x10200] =	vst v63  }
0x13c: {  	s24 =	simm.s32 $0x1200;
	v3 =	vadd.s32 v1, v3  }
0x13d: {  	[hbm4b:s6+s2] =	stream.indirect_vreg.scatter [tilespmem:s24], [sflag:$0x1], $0x80, v4, vm0, $0xb8;
	[tilespmem:$0x10200] =	vst v63  }
0x13e: {  	s29 =	simm.s32 $0x1A00  }
0x13f: {  	[hbm4b:s7+s2] =	stream.indirect_vreg.scatter [tilespmem:s29], [sflag:$0x1], $0x80, v4, vm0, $0xb8;
	[tilespmem:$0x10200] =	vst v63  }
0x140: {  	s24 =	simm.s32 $0x2200  }
0x141: {  	[hbm4b:s3+s2] =	stream.indirect_vreg.scatter [tilespmem:s24], [sflag:$0x1], $0x80, v3, vm0, $0xb8;
	[tilespmem:$0x10200] =	vst v63  }
0x142: {  	s29 =	simm.s32 $0x2A00  }
0x143: {  	[hbm4b:s5+s2] =	stream.indirect_vreg.scatter [tilespmem:s29], [sflag:$0x1], $0x80, v3, vm0, $0xb8;
	[tilespmem:$0x10200] =	vst v63  }
0x144: {  	s24 =	simm.s32 $0x3200  }
0x145: {  	[hbm4b:s6+s2] =	stream.indirect_vreg.scatter [tilespmem:s24], [sflag:$0x1], $0x80, v3, vm0, $0xb8;
	[tilespmem:$0x10200] =	vst v63  }
0x146: {  	s29 =	simm.s32 $0x3A00  }
0x147: {  	[hbm4b:s7+s2] =	stream.indirect_vreg.scatter [tilespmem:s29], [sflag:$0x1], $0x80, v3, vm0, $0xb8;
	[tilespmem:$0x10200] =	vst v63  }
0x148: {  	v3 =	vld [tilespmem:$0x190];
	_ =	sdelay $0x4  }
0x149: {  	v61 =	vshll.u32 v3, $0x3  }
0x14a: {  	v3 =	vand.u32 $0x7, v3;
	v4 =	vand.u32 $0xFFFFFFC0, v61  }
0x14b: {  	v3 =	vor.u32 v3, v4  }
0x14c: {  	v4 =	vperm.xlane v3, v0;
	_ =	sdelay $0x1  }
0x14d: {  	v4 =	vadd.s32 v1, v4;
	_ =	sdelay $0x3  }
0x14e: {  	s17 =	simm.s32 $0x4200  }
0x14f: {  	[hbm4b:s3+s2] =	stream.indirect_vreg.scatter [tilespmem:s17], [sflag:$0x1], $0x80, v4, vm0, $0xb8;
	[tilespmem:$0x10200] =	vst v63  }
0x150: {  	s18 =	simm.s32 $0x4A00;
	v3 =	vperm.xlane v3, v2  }
0x151: {  	[hbm4b:s5+s2] =	stream.indirect_vreg.scatter [tilespmem:s18], [sflag:$0x1], $0x80, v4, vm0, $0xb8;
	[tilespmem:$0x10200] =	vst v63  }
0x152: {  	s22 =	simm.s32 $0x5200;
	v3 =	vadd.s32 v1, v3  }
0x153: {  	[hbm4b:s6+s2] =	stream.indirect_vreg.scatter [tilespmem:s22], [sflag:$0x1], $0x80, v4, vm0, $0xb8;
	[tilespmem:$0x10200] =	vst v63  }
0x154: {  	_ = 	snop  }
0x155: {  	[hbm4b:s7+s2] =	stream.indirect_vreg.scatter [tilespmem:s20], [sflag:$0x1], $0x80, v4, vm0, $0xb8;
	[tilespmem:$0x10200] =	vst v63  }
0x156: {  	s21 =	simm.s32 $0x6200  }
0x157: {  	[hbm4b:s3+s2] =	stream.indirect_vreg.scatter [tilespmem:s21], [sflag:$0x1], $0x80, v3, vm0, $0xb8;
	[tilespmem:$0x10200] =	vst v63  }
0x158: {  	s31 =	simm.s32 $0x6A00  }
0x159: {  	[hbm4b:s5+s2] =	stream.indirect_vreg.scatter [tilespmem:s31], [sflag:$0x1], $0x80, v3, vm0, $0xb8;
	[tilespmem:$0x10200] =	vst v63  }
0x15a: {  	s24 =	simm.s32 $0x7200  }
0x15b: {  	[hbm4b:s6+s2] =	stream.indirect_vreg.scatter [tilespmem:s24], [sflag:$0x1], $0x80, v3, vm0, $0xb8;
	[tilespmem:$0x10200] =	vst v63  }
0x15c: {  	s14 =	simm.s32 $0x7A00  }
0x15d: {  	[hbm4b:s7+s2] =	stream.indirect_vreg.scatter [tilespmem:s14], [sflag:$0x1], $0x80, v3, vm0, $0xb8;
	[tilespmem:$0x10200] =	vst v63  }
0x15e: {  	v3 =	vld [tilespmem:$0x1A0];
	_ =	sdelay $0x4  }
0x15f: {  	v62 =	vshll.u32 v3, $0x3  }
0x160: {  	v3 =	vand.u32 $0x7, v3;
	v4 =	vand.u32 $0xFFFFFFC0, v62  }
0x161: {  	v3 =	vor.u32 v3, v4  }
0x162: {  	v4 =	vperm.xlane v3, v0;
	_ =	sdelay $0x1  }
0x163: {  	v4 =	vadd.s32 v1, v4;
	_ =	sdelay $0x3  }
0x164: {  	s15 =	simm.s32 $0x8200  }
0x165: {  	[hbm4b:s3+s2] =	stream.indirect_vreg.scatter [tilespmem:s15], [sflag:$0x1], $0x80, v4, vm0, $0xb8;
	[tilespmem:$0x10200] =	vst v63  }
0x166: {  	s16 =	simm.s32 $0x8A00;
	v3 =	vperm.xlane v3, v2  }
0x167: {  	[hbm4b:s5+s2] =	stream.indirect_vreg.scatter [tilespmem:s16], [sflag:$0x1], $0x80, v4, vm0, $0xb8;
	[tilespmem:$0x10200] =	vst v63  }
0x168: {  	s29 =	simm.s32 $0x9200;
	v3 =	vadd.s32 v1, v3  }
0x169: {  	[hbm4b:s6+s2] =	stream.indirect_vreg.scatter [tilespmem:s29], [sflag:$0x1], $0x80, v4, vm0, $0xb8;
	[tilespmem:$0x10200] =	vst v63  }
0x16a: {  	s31 =	simm.s32 $0x9A00  }
0x16b: {  	[hbm4b:s7+s2] =	stream.indirect_vreg.scatter [tilespmem:s31], [sflag:$0x1], $0x80, v4, vm0, $0xb8;
	[tilespmem:$0x10200] =	vst v63  }
0x16c: {  	s12 =	simm.s32 $0xA200  }
0x16d: {  	[hbm4b:s3+s2] =	stream.indirect_vreg.scatter [tilespmem:s12], [sflag:$0x1], $0x80, v3, vm0, $0xb8;
	[tilespmem:$0x10200] =	vst v63  }
0x16e: {  	s13 =	simm.s32 $0xAA00  }
0x16f: {  	[hbm4b:s5+s2] =	stream.indirect_vreg.scatter [tilespmem:s13], [sflag:$0x1], $0x80, v3, vm0, $0xb8;
	[tilespmem:$0x10200] =	vst v63  }
0x170: {  	s28 =	simm.s32 $0xB200  }
0x171: {  	[hbm4b:s6+s2] =	stream.indirect_vreg.scatter [tilespmem:s28], [sflag:$0x1], $0x80, v3, vm0, $0xb8;
	[tilespmem:$0x10200] =	vst v63  }
0x172: {  	s30 =	simm.s32 $0xBA00  }
0x173: {  	[hbm4b:s7+s2] =	stream.indirect_vreg.scatter [tilespmem:s30], [sflag:$0x1], $0x80, v3, vm0, $0xb8;
	[tilespmem:$0x10200] =	vst v63  }
0x174: {  	v3 =	vld [tilespmem:$0x1B0];
	_ =	sdelay $0x4  }
0x175: {  	v63 =	vshll.u32 v3, $0x3  }
0x176: {  	v3 =	vand.u32 $0x7, v3;
	v4 =	vand.u32 $0xFFFFFFC0, v63  }
0x177: {  	v3 =	vor.u32 v3, v4  }
0x178: {  	v4 =	vperm.xlane v3, v0;
	_ =	sdelay $0x1  }
0x179: {  	v4 =	vadd.s32 v1, v4;
	_ =	sdelay $0x4  }
0x17a: {  	[hbm4b:s3+s2] =	stream.indirect_vreg.scatter [tilespmem:s4], [sflag:$0x1], $0x80, v4, vm0, $0xb8;
	[tilespmem:$0x10200] =	vst v63  }
0x17b: {  	v3 =	vperm.xlane v3, v2  }
0x17c: {  	[hbm4b:s5+s2] =	stream.indirect_vreg.scatter [tilespmem:s10], [sflag:$0x1], $0x80, v4, vm0, $0xb8;
	[tilespmem:$0x10200] =	vst v63  }
0x17d: {  	s23 =	simm.s32 $0xD200;
	v3 =	vadd.s32 v1, v3  }
0x17e: {  	[hbm4b:s6+s2] =	stream.indirect_vreg.scatter [tilespmem:s23], [sflag:$0x1], $0x80, v4, vm0, $0xb8;
	[tilespmem:$0x10200] =	vst v63  }
0x17f: {  	_ = 	snop  }
0x180: {  	[hbm4b:s7+s2] =	stream.indirect_vreg.scatter [tilespmem:s0], [sflag:$0x1], $0x80, v4, vm0, $0xb8;
	[tilespmem:$0x10200] =	vst v63  }
0x181: {  	_ = 	snop  }
0x182: {  	[hbm4b:s3+s2] =	stream.indirect_vreg.scatter [tilespmem:s11], [sflag:$0x1], $0x80, v3, vm0, $0xb8;
	[tilespmem:$0x10200] =	vst v63  }
0x183: {  	s25 =	simm.s32 $0xEA00  }
0x184: {  	[hbm4b:s5+s2] =	stream.indirect_vreg.scatter [tilespmem:s25], [sflag:$0x1], $0x80, v3, vm0, $0xb8;
	[tilespmem:$0x10200] =	vst v63  }
0x185: {  	s26 =	simm.s32 $0xF200  }
0x186: {  	[hbm4b:s6+s2] =	stream.indirect_vreg.scatter [tilespmem:s26], [sflag:$0x1], $0x80, v3, vm0, $0xb8;
	[tilespmem:$0x10200] =	vst v63  }
0x187: {  	_ = 	snop  }
0x188: {  	[hbm4b:s7+s2] =	stream.indirect_vreg.scatter [tilespmem:s1], [sflag:$0x1], $0x80, v3, vm0, $0xb8;
	[tilespmem:$0x10200] =	vst v63  }
0x189: {  	p0 =	sne.s32 s8, $0x1;
	_ =	swait.ge [sflag:s19], $0x10000  }
.Ltmp0:
0x18a: {  	[sflag:s19] =	ssyncset.done $0x0;
	(pc) =	sbr.rel @p0 .LBB2_1-.Ltmp0, $4  }
0x18b: {  	[sflag:s19] =	ssyncadd.s32 $0xFFFF0000  }
0x18c: {  	_ =	swait.ge [sflag:s19], $0x10000  }
0x18d: {  	[sflag:s19] =	ssyncset.done $0x0  }
0x18e: {  	s8 =	sadd.s32 $0xFFFFFFFF, s8;
	[sflag:s19] =	ssyncadd.s32 $0xFFFF0000  }
0x18f: {  	_ =	sfence.sel $0x180000  }
0x190: {  	[bflag:$0x0] =	sbarrier.arrive $0xFFFF  }
0x191: {  	_ =	strace $0x90000047  }
0x192: {  	s0 =	stileid.u32;
	[bflag:$0x2] =	sbarrier.arrive $0xFFFF  }
0x193: {  	p0 =	sne.s32 s0, $0x0;
	s0 =	rddreg [dreg:$0x2]  }
0x194: {  	s0 =	sadd.s32 @!p0 $0x100000, s0  }
0x195: {  	[sflag:s0] =	ssyncadd.tile.s32 @!p0 $0x1;
	_ =	shalt  }
.Lfunc_end2:
_tile_overlayer_lowered:
.L_overlay_start_2:
0x196: {  	(tag) =	ssettag $0x2  }
0x197: {  	s0 =	rddreg [dreg:$0x0];
	s2 =	stileid.u32  }
0x198: {  	s1 =	rddreg [dreg:$0x1];
	p0 =	sne.s32 s2, $0x0  }
0x199: {  	s3 =	rddreg [dreg:$0x2];
	[bflag:$0x3] =	sbarrier.arrive $0xFFFF;
	s2 =	simm.s32 @!p0 $0x1C02  }
0x19a: {  	[timem:s3], [sflag:s2] =	dma.local @!p0 [hbm:s0], s1  }
0x19b: {  	s0 =	simm.s32 @!p0 $0x2  }
0x19c: {  	_ =	swait.ge @!p0 [sflag:s0], s1  }
0x19d: {  	s1 =	ssub.s32 @!p0 $0x0, s1;
	[sflag:s0] =	ssyncset.done @!p0 $0x0  }
0x19e: {  	[sflag:s0] =	ssyncadd.s32 @!p0 s1  }
0x19f: {  	[bflag:$0x3] =	sbarrier.arrive $0xFFFF  }
0x1a0: {  	_ =	shalt  }

// kernel: kernel.9.cloned.1.call-start
scs
__scs_entry_jumppad:
0x0: {  	(pc) =	sbr.rel $0x88, $3  }
0x1: {  	(tag) =	ssettag $0x0;
	lr =	simm.s32 $0x1  }
0x2: {  	[smem:$0x3F98] =	sst lr;
	_ =	strace $0xD0000000  }
0x3: {  	_ = 	snop  }
0x4: {  	_ = 	snop  }
0x5: {  	_ = 	snop  }
0x6: {  	_ = 	snop  }
0x7: {  	_ = 	snop  }
__scs_overlays_trampoline_lowered:
0x8: {  	[smem:$0x3FA7] =	sst s0  }
0x9: {  	[smem:$0x3FA8] =	sst s1  }
0xa: {  	[smem:$0x3FA9] =	sst s2  }
0xb: {  	[smem:$0x3FAA] =	sst s3  }
0xc: {  	[smem:$0x3FAB] =	sst s4  }
0xd: {  	[smem:$0x3FAC] =	sst s5  }
0xe: {  	[smem:$0x3FAD] =	sst s6  }
0xf: {  	[smem:$0x3FAE] =	sst s7  }
0x10: {  	[smem:$0x3FAF] =	sst s8  }
0x11: {  	[smem:$0x3FB0] =	sst s9;
	s0 =	simm.s32 @!p0 $0x0  }
0x12: {  	s1 =	sld [smem:$0x3F96];
	s0 =	simm.s32 @p0 $0x1  }
0x13: {  	[smem:$0x3FB1] =	sst s0;
	s0 =	simm.s32 @!p1 $0x0  }
0x14: {  	s2 =	sld [smem:$0x3F95];
	s0 =	simm.s32 @p1 $0x1  }
0x15: {  	[smem:$0x3FB2] =	sst s0;
	s0 =	simm.s32 @!p2 $0x0  }
0x16: {  	s3 =	sld [smem:$0x3FDB];
	s0 =	simm.s32 @p2 $0x1  }
0x17: {  	s4 =	simm.s32 $0x1BF5;
	[smem:$0x3FB4] =	sst s0  }
0x18: {  	s0 =	sld [smem:$0x3F97];
	_ =	swait.ge [sflag:s4], $0x0  }
0x19: {  	s7 =	sld [smem:$0x3F98]  }
0x1a: {  	s8 =	sadd.s32 $0xFFFFE003, lr  }
0x1b: {  	s9 =	sadd.s32 $0xFFFFFEF7, lr;
	s5 =	simm.s32 $0xFFFFFFFF;
	p2 =	slt.u32 s8, $0xFFFFF086  }
0x1c: {  	p1 =	slt.u32 s9, $0xF7A;
	s5 =	simm.s32 @!p2 $0x0  }
0x1d: {  	s5 =	simm.s32 @p1 $0x1;
	p0 =	seq.s32 s7, s2  }
0x1e: {  	s7 =	smul.u32 @!p0 $0xF7A, s2;
	p2 =	seq.s32 @!p0 s5, $0x0  }
0x1f: {  	s9 =	smul.u32 $0xF7A, s1;
	s8 =	simm.s32 @!p0 $0x1BF5;
	p2 =	por !p2, p0  }
0x20: {  	[sflag:s8] =	ssyncset.s32 @!p0 $0xFFFFF086;
	s6 =	sadd.s32 @!p0 s3, s7;
	s7 =	simm.s32 @!p0 $0x108  }
0x21: {  	s3 =	sadd.s32 s3, s9;
	s6 =	sadd.s32 @!p0 $0x88, s6;
	s7 =	simm.s32 @p2 $0x1082  }
0x22: {  	[simem:s7], [sflag:s8] =	dma.local @!p0 [hbm:s6], $0xF7A  }
0x23: {  	s9 =	sor.u32 $0xD0000000, s2;
	s6 =	simm.s32 $0x108;
	_ =	swait.ge @!p0 [sflag:s8], $0x0  }
0x24: {  	s3 =	sadd.s32 $0x88, s3;
	s6 =	simm.s32 @!p1 $0x1082;
	[sflag:s4] =	ssyncset.s32 $0xFFFFF086  }
0x25: {  	[simem:s6], [sflag:s4] =	dma.local [hbm:s3], $0xF7A  }
0x26: {  	[smem:$0x3F98] =	sst s1;
	(tag) =	ssettag s2;
	_ =	strace s9  }
0x27: {  	s1 =	sld [smem:$0x3FA8]  }
0x28: {  	s2 =	sld [smem:$0x3FA9]  }
0x29: {  	s4 =	sld [smem:$0x3FAB]  }
0x2a: {  	p0 =	seq.s32 s5, $0x0;
	s5 =	sld [smem:$0x3FAC]  }
0x2b: {  	s6 =	sld [smem:$0x3FAD]  }
0x2c: {  	s7 =	sld [smem:$0x3FAE]  }
0x2d: {  	s3 =	simm.s32 $0x108;
	s8 =	sld [smem:$0x3FAF]  }
0x2e: {  	s3 =	simm.s32 @!p0 $0x1082;
	s9 =	sld [smem:$0x3FB0]  }
0x2f: {  	lr =	sadd.s32 s0, s3;
	s0 =	sld [smem:$0x3FA7]  }
0x30: {  	s3 =	sld [smem:$0x3FAA]  }
0x31: {  	[smem:$0x3FB3] =	sst s10  }
0x32: {  	s10 =	sld [smem:$0x3FB1];
	_ =	sdelay $0x3  }
0x33: {  	p0 =	seq.s32 s10, $0x1;
	s10 =	sld [smem:$0x3FB3];
	_ =	sdelay $0x3  }
0x34: {  	[smem:$0x3FB3] =	sst s10  }
0x35: {  	s10 =	sld [smem:$0x3FB2];
	_ =	sdelay $0x3  }
0x36: {  	p1 =	seq.s32 s10, $0x1;
	s10 =	sld [smem:$0x3FB3];
	_ =	sdelay $0x3  }
0x37: {  	[smem:$0x3FB3] =	sst s10  }
0x38: {  	s10 =	sld [smem:$0x3FB4]  }
0x39: {  	_ = 	snop;
	(pc) =	sbr.ind lr, $3  }
0x3a: {  	_ = 	snop  }
0x3b: {  	_ = 	snop  }
0x3c: {  	p2 =	seq.s32 s10, $0x1;
	s10 =	sld [smem:$0x3FB3]  }
0x3d: {  	_ =	shalt  }
0x3e: {  	_ =	shalt  }
0x3f: {  	_ =	shalt  }
0x40: {  	_ =	shalt  }
0x41: {  	_ =	shalt  }
0x42: {  	_ =	shalt  }
0x43: {  	_ =	shalt  }
0x44: {  	_ =	shalt  }
0x45: {  	_ =	shalt  }
0x46: {  	_ =	shalt  }
0x47: {  	_ =	shalt  }
0x48: {  	_ =	shalt  }
0x49: {  	_ =	shalt  }
0x4a: {  	_ =	shalt  }
0x4b: {  	_ =	shalt  }
0x4c: {  	_ =	shalt  }
0x4d: {  	_ =	shalt  }
0x4e: {  	_ =	shalt  }
0x4f: {  	_ =	shalt  }
0x50: {  	_ =	shalt  }
0x51: {  	_ =	shalt  }
0x52: {  	_ =	shalt  }
0x53: {  	_ =	shalt  }
0x54: {  	_ =	shalt  }
0x55: {  	_ =	shalt  }
0x56: {  	_ =	shalt  }
0x57: {  	_ =	shalt  }
0x58: {  	_ =	shalt  }
0x59: {  	_ =	shalt  }
0x5a: {  	_ =	shalt  }
0x5b: {  	_ =	shalt  }
0x5c: {  	_ =	shalt  }
0x5d: {  	_ =	shalt  }
0x5e: {  	_ =	shalt  }
0x5f: {  	_ =	shalt  }
0x60: {  	_ =	shalt  }
0x61: {  	_ =	shalt  }
0x62: {  	_ =	shalt  }
0x63: {  	_ =	shalt  }
0x64: {  	_ =	shalt  }
0x65: {  	_ =	shalt  }
0x66: {  	_ =	shalt  }
0x67: {  	_ =	shalt  }
0x68: {  	_ =	shalt  }
0x69: {  	_ =	shalt  }
0x6a: {  	_ =	shalt  }
0x6b: {  	_ =	shalt  }
0x6c: {  	_ =	shalt  }
0x6d: {  	_ =	shalt  }
0x6e: {  	_ =	shalt  }
0x6f: {  	_ =	shalt  }
0x70: {  	_ =	shalt  }
0x71: {  	_ =	shalt  }
0x72: {  	_ =	shalt  }
0x73: {  	_ =	shalt  }
0x74: {  	_ =	shalt  }
0x75: {  	_ =	shalt  }
0x76: {  	_ =	shalt  }
0x77: {  	_ =	shalt  }
0x78: {  	_ =	shalt  }
0x79: {  	_ =	shalt  }
0x7a: {  	_ =	shalt  }
0x7b: {  	_ =	shalt  }
0x7c: {  	_ =	shalt  }
0x7d: {  	_ =	shalt  }
0x7e: {  	_ =	shalt  }
0x7f: {  	_ =	shalt  }
0x80: {  	_ =	shalt  }
0x81: {  	_ =	shalt  }
0x82: {  	_ =	shalt  }
0x83: {  	_ =	shalt  }
0x84: {  	_ =	shalt  }
0x85: {  	_ =	shalt  }
0x86: {  	_ =	shalt  }
0x87: {  	_ =	shalt  }
.Lfunc_end0:
.L_simem_size_0:
called_computation.1_lowered:
.L_overlay_start_0:
0x88: {  	s2 =	sld [smem:$0x3FD9]  }
0x89: {  	s3 =	sld [smem:$0x3FFE];
	_ =	sdelay $0x1  }
0x8a: {  	s1 =	srdreg.scid  }
0x8b: {  	s0 =	sand.u32 $0x1, s1  }
0x8c: {  	s14 =	sshll.u32 s0, $0xA;
	s2 =	sadd.s32 s3, s2  }
0x8d: {  	s2 =	sadd.s32 s2, s14  }
0x8e: {  	[smem:$0x3FBF] =	sst s2  }
0x8f: {  	_ = 	snop  }
0x90: {  	s2 =	sld [smem:$0x3FD0];
	_ =	sdelay $0x2  }
0x91: {  	s15 =	simm.s32 $0xA;
	s4 =	simm.s32 $0x10  }
0x92: {  	[smem:s4], [sflag:s15] =	dma.local [hbm:s2], $0x1  }
0x93: {  	_ =	swait.eq [sflag:s15], $0x1  }
0x94: {  	[sflag:s15] =	ssyncset.done $0x0  }
0x95: {  	[sflag:s15] =	ssyncadd.s32 $0xFFFFFFFF  }
0x96: {  	s16 =	sld [smem:$0x10];
	(tm) =	ssettm $0x1  }
0x97: {  	s17 =	sld [smem:$0x3FFB];
	_ =	sdelay $0x3  }
0x98: {  	_ =	strace s17  }
0x99: {  	s3 =	sld [smem:$0x3FFC];
	_ =	sdelay $0x3  }
0x9a: {  	_ =	strace s3  }
0x9b: {  	s3 =	sld [smem:$0x3FFD];
	_ =	sdelay $0x3  }
0x9c: {  	_ =	strace s3  }
0x9d: {  	_ =	strace $0x8FFFFFFF  }
0x9e: {  	s18 =	sld [smem:$0x3FDB];
	_ =	sdelay $0x1  }
0x9f: {  	s19 =	simm.s32 $_scs_section_size  }
0xa0: {  	s5 =	simm.s32 $_size__tile_overlayer_lowered;
	s6 =	simm.s32 $_tile_overlayer_lowered  }
0xa1: {  	s22 =	simm.s32 $0x1BFF;
	s21 =	sshll.u32 s6, $0x1;
	s3 =	sadd.s32 s19, s18  }
0xa2: {  	s7 =	simm.s32 $0x0;
	s20 =	sshll.u32 s5, $0x1;
	s5 =	sadd.s32 s21, s3  }
0xa3: {  	[timem:s7], [sflag:s22] =	dma.local [hbm:s5], s20  }
0xa4: {  	_ =	swait.ge [sflag:s22], s20  }
0xa5: {  	s4 =	ssub.s32 $0x0, s20;
	[sflag:s22] =	ssyncset.done $0x0  }
0xa6: {  	[sflag:s22] =	ssyncadd.s32 s4;
	_ =	sdelay $0x1  }
0xa7: {  	s23 =	simm.s32 $0x1B8B  }
0xa8: {  	_ =	swait.ge [sflag:s23], $0x1  }
0xa9: {  	[sflag:s23] =	ssyncset.done $0x0  }
0xaa: {  	s25 =	simm.s32 $0x1B8E;
	s24 =	sld [smem:$0x3FFE];
	[sflag:s23] =	ssyncadd.s32 $0xFFFFFFFF  }
0xab: {  	s26 =	simm.s32 $execute0_lowered;
	[smem:$0x3FD2] =	sst s25  }
0xac: {  	s5 =	sshll.u32 s26, $0x1;
	_ =	strace $0x80000049;
	[dreg:$0x1] =	wrdreg $0xFFFFFFFF  }
0xad: {  	s28 =	simm.s32 $_size_execute0_lowered;
	s3 =	sadd.s32 s3, s5;
	[dreg:$0x0] =	wrdreg $0x0  }
0xae: {  	s5 =	sshll.u32 s28, $0x1;
	[dreg:$0x2] =	wrdreg s3  }
0xaf: {  	[dreg:$0x3] =	wrdreg s5  }
0xb0: {  	[dreg:$0x4] =	wrdreg $0xC0  }
0xb1: {  	_ =	task [dreg:s7], $0x5FFFF  }
0xb2: {  	[dreg:$0x1] =	wrdreg $0xFFFFFFFF  }
0xb3: {  	[dreg:$0x0] =	wrdreg $0x60  }
0xb4: {  	[dreg:$0x2] =	wrdreg s24  }
0xb5: {  	[dreg:$0x3] =	wrdreg s16  }
0xb6: {  	[dreg:$0x4] =	wrdreg $0x9  }
0xb7: {  	_ =	task.clear_ibuf [dreg:s7], $0x5FFFF;
	_ =	strace $0x90000049  }
0xb8: {  	s29 =	simm.s32 $0x9;
	_ =	strace $0x8000004B  }
0xb9: {  	_ =	swait.ge [sflag:s29], $0x1  }
0xba: {  	[sflag:s29] =	ssyncadd.s32 $0xFFFFFFFF  }
0xbb: {  	_ =	strace $0x9000004B  }
0xbc: {  	_ =	sfence  }
0xbd: {  	s30 =	sld [smem:$0x0];
	_ =	sdelay $0x2  }
0xbe: {  	s31 =	sshll.u32 s1, $0xD;
	s1 =	sshrl.u32 s1, $0x2  }
0xbf: {  	s3 =	sand.u32 $0x4000, s31;
	s1 =	sadd.s32 s1, s30  }
0xc0: {  	s0 =	sor.u32 s3, s0;
	s1 =	sshll.u32 s1, $0x11  }
0xc1: {  	s0 =	sor.u32 s1, s0  }
0xc2: {  	s0 =	sadd.s32 $0x8F2B, s0  }
0xc3: {  	[sflag:s0] =	ssyncadd.remote.s32 $0x1  }
0xc4: {  	_ =	sfence.sel $0xFFFF  }
0xc5: {  	[dreg:$0x0] =	wrdreg $0xFFFFFFFF;
	(pc) =	sbr.abs _section_cstart, $3  }
0xc6: {  	[dreg:$0x1] =	wrdreg $0xFFFFFFFF  }
0xc7: {  	_ =	task.clear_ibuf [dreg:s7], $0x2FFFF;
	_ =	strace $0x9FFFFFFF  }
0xc8: {  	(tm) =	ssettm $0x7FFFFFFF  }
0xc9: {  	_ =	shalt  }
tec
execute0_lowered:
.L_overlay_start_1:
0x0: {  	(tag) =	ssettag $0x1  }
0x1: {  	s7 =	rddreg [dreg:$0x0]  }
0x2: {  	s13 =	rddreg [dreg:$0x1]  }
0x3: {  	s0 =	rddreg [dreg:$0x2];
	s2 =	simm.s32 $0x0;
	s3 =	srdreg.scid  }
0x4: {  	s1 =	stileid.u32;
	[smem:$0x7FF] =	sst s2;
	s4 =	sadd.s32 $0x2400, s7  }
0x5: {  	s14 =	sand.u32 $0x1, s3;
	s3 =	simm.s32 $0x1;
	_ =	strace $0x8000004A  }
0x6: {  	[tilespmem:s2], [sflag:$0x1] =	stream.linear.gather [hbm4b:s4+s2], $0x3000, $0x38;
	[tilespmem:$0x3280] =	vst v63  }
0x7: {  	s5 =	sshll.u32 s1, $0x5;
	s6 =	sshll.u32 s14, $0x4;
	_ =	swait.ge [sflag:s3], $0x3000  }
0x8: {  	s9 =	sadd.s32 $0x1C00, s7;
	s15 =	sor.u32 s6, s5;
	[sflag:s3] =	ssyncset.done $0x0  }
0x9: {  	s6 =	simm.s32 $0x3000;
	s5 =	sadd.s32 s9, s15;
	[sflag:s3] =	ssyncadd.s32 $0xFFFFD000  }
0xa: {  	[tilespmem:s6], [sflag:$0x1] =	stream.linear.gather [hbm4b:s5+s2], $0x80, $0x38;
	[tilespmem:$0x3280] =	vst v63  }
0xb: {  	_ =	swait.ge [sflag:s3], $0x80  }
0xc: {  	s11 =	sadd.s32 $0x2000, s7;
	[sflag:s3] =	ssyncset.done $0x0  }
0xd: {  	s8 =	simm.s32 $0x3100;
	s7 =	sadd.s32 s11, s15;
	[sflag:s3] =	ssyncadd.s32 $0xFFFFFF80  }
0xe: {  	[tilespmem:s8], [sflag:$0x1] =	stream.linear.gather [hbm4b:s7+s2], $0x80, $0x38;
	[tilespmem:$0x3280] =	vst v63  }
0xf: {  	_ =	swait.ge [sflag:s3], $0x80  }
0x10: {  	s12 =	sor.u32 $0x200, s15;
	[sflag:s3] =	ssyncset.done $0x0  }
0x11: {  	s10 =	simm.s32 $0x3080;
	s9 =	sadd.s32 s9, s12;
	[sflag:s3] =	ssyncadd.s32 $0xFFFFFF80  }
0x12: {  	[tilespmem:s10], [sflag:$0x1] =	stream.linear.gather [hbm4b:s9+s2], $0x80, $0x38;
	[tilespmem:$0x3280] =	vst v63  }
0x13: {  	_ =	swait.ge [sflag:s3], $0x80  }
0x14: {  	[sflag:s3] =	ssyncset.done $0x0  }
0x15: {  	s11 =	sadd.s32 s11, s12;
	s12 =	simm.s32 $0x3180;
	[sflag:s3] =	ssyncadd.s32 $0xFFFFFF80  }
0x16: {  	[tilespmem:s12], [sflag:$0x1] =	stream.linear.gather [hbm4b:s11+s2], $0x80, $0x38;
	[tilespmem:$0x3280] =	vst v63  }
0x17: {  	_ =	swait.ge [sflag:s3], $0x80  }
0x18: {  	[sflag:s3] =	ssyncset.done $0x0  }
0x19: {  	[sflag:s3] =	ssyncadd.s32 $0xFFFFFF80  }
0x1a: {  	v0 =	vld [tilespmem:$0x3000]  }
0x1b: {  	v1 =	vld [tilespmem:$0x3080];
	_ =	sdelay $0x4  }
0x1c: {  	v2 =	vld [tilespmem:$0x3180]  }
0x1d: {  	v3 =	vld [tilespmem:$0x3100]  }
0x1e: {  	v0 =	vld.idx.msk [tilespmem:v0+s2+$0x0], $0xffff  }
0x1f: {  	v1 =	vld.idx.msk [tilespmem:v1+s2+$0x0], $0xffff;
	_ =	sdelay $0x1  }
0x20: {  	v4 =	vld [tilespmem:$0x3010]  }
0x21: {  	v5 =	vld [tilespmem:$0x3090];
	_ =	sdelay $0x1  }
0x22: {  	v0 =	vmul.f32 v3, v0;
	v1 =	vmul.f32 v2, v1;
	_ =	sdelay $0x1  }
0x23: {  	v0 =	vadd.f32 v1, v0  }
0x24: {  	v1 =	vld [tilespmem:$0x3190]  }
0x25: {  	[tilespmem:$0x3200] =	vst v0;
	v0 =	vld [tilespmem:$0x3110]  }
0x26: {  	v2 =	vld.idx.msk [tilespmem:v4+s2+$0x0], $0xffff  }
0x27: {  	v3 =	vld.idx.msk [tilespmem:v5+s2+$0x0], $0xffff;
	_ =	sdelay $0x1  }
0x28: {  	v53 =	vld [tilespmem:$0x3020]  }
0x29: {  	v54 =	vld [tilespmem:$0x30A0];
	_ =	sdelay $0x1  }
0x2a: {  	v0 =	vmul.f32 v0, v2;
	v1 =	vmul.f32 v1, v3;
	_ =	sdelay $0x1  }
0x2b: {  	v0 =	vadd.f32 v1, v0  }
0x2c: {  	v1 =	vld [tilespmem:$0x31A0]  }
0x2d: {  	[tilespmem:$0x3210] =	vst v0;
	v0 =	vld [tilespmem:$0x3120]  }
0x2e: {  	v2 =	vld.idx.msk [tilespmem:v53+s2+$0x0], $0xffff  }
0x2f: {  	v3 =	vld.idx.msk [tilespmem:v54+s2+$0x0], $0xffff;
	_ =	sdelay $0x1  }
0x30: {  	v55 =	vld [tilespmem:$0x3030]  }
0x31: {  	v56 =	vld [tilespmem:$0x30B0];
	_ =	sdelay $0x1  }
0x32: {  	v0 =	vmul.f32 v0, v2;
	v1 =	vmul.f32 v1, v3;
	_ =	sdelay $0x1  }
0x33: {  	v0 =	vadd.f32 v1, v0  }
0x34: {  	v2 =	vld [tilespmem:$0x3130]  }
0x35: {  	v1 =	vld [tilespmem:$0x31B0];
	[tilespmem:$0x3220] =	vst v0  }
0x36: {  	v0 =	vld.idx.msk [tilespmem:v55+s2+$0x0], $0xffff  }
0x37: {  	v3 =	vld.idx.msk [tilespmem:v56+s2+$0x0], $0xffff;
	_ =	sdelay $0x1  }
0x38: {  	v57 =	vld [tilespmem:$0x3040]  }
0x39: {  	v58 =	vld [tilespmem:$0x30C0];
	_ =	sdelay $0x1  }
0x3a: {  	v0 =	vmul.f32 v2, v0;
	v1 =	vmul.f32 v1, v3;
	_ =	sdelay $0x1  }
0x3b: {  	v0 =	vadd.f32 v1, v0  }
0x3c: {  	v2 =	vld [tilespmem:$0x3140]  }
0x3d: {  	v1 =	vld [tilespmem:$0x31C0];
	[tilespmem:$0x3230] =	vst v0  }
0x3e: {  	v0 =	vld.idx.msk [tilespmem:v57+s2+$0x0], $0xffff  }
0x3f: {  	v3 =	vld.idx.msk [tilespmem:v58+s2+$0x0], $0xffff;
	_ =	sdelay $0x1  }
0x40: {  	v59 =	vld [tilespmem:$0x3050]  }
0x41: {  	v60 =	vld [tilespmem:$0x30D0];
	_ =	sdelay $0x1  }
0x42: {  	v0 =	vmul.f32 v2, v0;
	v1 =	vmul.f32 v1, v3;
	_ =	sdelay $0x1  }
0x43: {  	v0 =	vadd.f32 v1, v0  }
0x44: {  	v2 =	vld [tilespmem:$0x3150]  }
0x45: {  	v1 =	vld [tilespmem:$0x31D0];
	[tilespmem:$0x3240] =	vst v0  }
0x46: {  	v0 =	vld.idx.msk [tilespmem:v59+s2+$0x0], $0xffff  }
0x47: {  	v3 =	vld.idx.msk [tilespmem:v60+s2+$0x0], $0xffff;
	_ =	sdelay $0x1  }
0x48: {  	v61 =	vld [tilespmem:$0x3060];
	_ =	sdelay $0x1  }
0x49: {  	v62 =	vld [tilespmem:$0x30E0]  }
0x4a: {  	v0 =	vmul.f32 v2, v0;
	v1 =	vmul.f32 v1, v3;
	_ =	sdelay $0x1  }
0x4b: {  	v0 =	vadd.f32 v1, v0;
	_ =	sdelay $0x1  }
0x4c: {  	v2 =	vld [tilespmem:$0x3160];
	[tilespmem:$0x3250] =	vst v0  }
0x4d: {  	v0 =	vld.idx.msk [tilespmem:v61+s2+$0x0], $0xffff  }
0x4e: {  	v1 =	vld [tilespmem:$0x31E0]  }
0x4f: {  	v3 =	vld.idx.msk [tilespmem:v62+s2+$0x0], $0xffff;
	_ =	sdelay $0x1  }
0x50: {  	v63 =	vld [tilespmem:$0x3070]  }
0x51: {  	v0 =	vmul.f32 v2, v0;
	v2 =	vld [tilespmem:$0x30F0];
	_ =	sdelay $0x1  }
0x52: {  	v1 =	vmul.f32 v1, v3  }
0x53: {  	s14 =	ssub.s32 $0x2, s14  }
0x54: {  	s16 =	sshrl.u32 s14, $0x1;
	v0 =	vadd.f32 v1, v0  }
0x55: {  	s14 =	ssub.s32 s14, s16;
	v3 =	vld [tilespmem:$0x3170]  }
0x56: {  	s16 =	smax.u32 s14, $0x1;
	[tilespmem:$0x3260] =	vst v0;
	v0 =	vld [tilespmem:$0x31F0]  }
0x57: {  	p0 =	sne.s32 s16, $0x1;
	v4 =	vld.idx.msk [tilespmem:v63+s2+$0x0], $0xffff  }
.Ltmp0:
0x58: {  	v1 =	vld.idx.msk [tilespmem:v2+s2+$0x0], $0xffff;
	(pc) =	sbr.rel @!p0 .LBB2_2-.Ltmp0, $2  }
0x59: {  	_ =	sdelay $0x2  }
0x5a: {  	s13 =	sadd.s32 s13, s15;
	s14 =	simm.s32 $0x3200;
	s15 =	sadd.s32 $0xFFFFFFFF, s16;
	v2 =	vmul.f32 v3, v4  }
.LBB2_1:
0x5b: {  	p0 =	sne.s32 s15, $0x1;
	s15 =	sadd.s32 $0xFFFFFFFF, s15;
	v0 =	vmul.f32 v0, v1;
	_ =	sdelay $0x1  }
0x5c: {  	v0 =	vadd.f32 v0, v2;
	_ =	sdelay $0x1  }
0x5d: {  	[tilespmem:$0x3270] =	vst v0  }
0x5e: {  	[hbm4b:s13+s2] =	stream.linear.scatter [tilespmem:s14], [sflag:$0x1], $0x80, $0x38;
	[tilespmem:$0x3280] =	vst v63  }
0x5f: {  	_ =	swait.ge [sflag:s3], $0x80  }
0x60: {  	[sflag:s3] =	ssyncset.done $0x0  }
0x61: {  	[sflag:s3] =	ssyncadd.s32 $0xFFFFFF80  }
0x62: {  	[tilespmem:s2], [sflag:$0x1] =	stream.linear.gather [hbm4b:s4+s2], $0x3000, $0x38;
	[tilespmem:$0x3280] =	vst v63  }
0x63: {  	_ =	swait.ge [sflag:s3], $0x3000  }
0x64: {  	[sflag:s3] =	ssyncset.done $0x0  }
0x65: {  	[sflag:s3] =	ssyncadd.s32 $0xFFFFD000  }
0x66: {  	[tilespmem:s6], [sflag:$0x1] =	stream.linear.gather [hbm4b:s5+s2], $0x80, $0x38;
	[tilespmem:$0x3280] =	vst v63  }
0x67: {  	_ =	swait.ge [sflag:s3], $0x80  }
0x68: {  	[sflag:s3] =	ssyncset.done $0x0  }
0x69: {  	[sflag:s3] =	ssyncadd.s32 $0xFFFFFF80  }
0x6a: {  	[tilespmem:s8], [sflag:$0x1] =	stream.linear.gather [hbm4b:s7+s2], $0x80, $0x38;
	[tilespmem:$0x3280] =	vst v63  }
0x6b: {  	_ =	swait.ge [sflag:s3], $0x80  }
0x6c: {  	[sflag:s3] =	ssyncset.done $0x0  }
0x6d: {  	[sflag:s3] =	ssyncadd.s32 $0xFFFFFF80  }
0x6e: {  	[tilespmem:s10], [sflag:$0x1] =	stream.linear.gather [hbm4b:s9+s2], $0x80, $0x38;
	[tilespmem:$0x3280] =	vst v63  }
0x6f: {  	_ =	swait.ge [sflag:s3], $0x80  }
0x70: {  	[sflag:s3] =	ssyncset.done $0x0  }
0x71: {  	[sflag:s3] =	ssyncadd.s32 $0xFFFFFF80  }
0x72: {  	[tilespmem:s12], [sflag:$0x1] =	stream.linear.gather [hbm4b:s11+s2], $0x80, $0x38;
	[tilespmem:$0x3280] =	vst v63  }
0x73: {  	_ =	swait.ge [sflag:s3], $0x80  }
0x74: {  	[sflag:s3] =	ssyncset.done $0x0  }
0x75: {  	[sflag:s3] =	ssyncadd.s32 $0xFFFFFF80  }
0x76: {  	v0 =	vld [tilespmem:$0x3000]  }
0x77: {  	v1 =	vld [tilespmem:$0x3080];
	_ =	sdelay $0x4  }
0x78: {  	v2 =	vld [tilespmem:$0x3180]  }
0x79: {  	v3 =	vld [tilespmem:$0x3100]  }
0x7a: {  	v0 =	vld.idx.msk [tilespmem:v0+s2+$0x0], $0xffff  }
0x7b: {  	v1 =	vld.idx.msk [tilespmem:v1+s2+$0x0], $0xffff;
	_ =	sdelay $0x1  }
0x7c: {  	v4 =	vld [tilespmem:$0x3090]  }
0x7d: {  	v5 =	vld [tilespmem:$0x3010];
	_ =	sdelay $0x1  }
0x7e: {  	v0 =	vmul.f32 v3, v0  }
0x7f: {  	v1 =	vmul.f32 v2, v1;
	_ =	sdelay $0x1  }
0x80: {  	v0 =	vadd.f32 v1, v0  }
0x81: {  	v1 =	vld [tilespmem:$0x3190]  }
0x82: {  	[tilespmem:$0x3200] =	vst v0;
	v0 =	vld [tilespmem:$0x3110]  }
0x83: {  	v2 =	vld.idx.msk [tilespmem:v5+s2+$0x0], $0xffff  }
0x84: {  	v3 =	vld.idx.msk [tilespmem:v4+s2+$0x0], $0xffff;
	_ =	sdelay $0x1  }
0x85: {  	v4 =	vld [tilespmem:$0x30A0]  }
0x86: {  	v5 =	vld [tilespmem:$0x3020];
	_ =	sdelay $0x1  }
0x87: {  	v0 =	vmul.f32 v0, v2  }
0x88: {  	v1 =	vmul.f32 v1, v3;
	_ =	sdelay $0x1  }
0x89: {  	v0 =	vadd.f32 v1, v0  }
0x8a: {  	v1 =	vld [tilespmem:$0x31A0]  }
0x8b: {  	[tilespmem:$0x3210] =	vst v0;
	v0 =	vld [tilespmem:$0x3120]  }
0x8c: {  	v2 =	vld.idx.msk [tilespmem:v5+s2+$0x0], $0xffff  }
0x8d: {  	v3 =	vld.idx.msk [tilespmem:v4+s2+$0x0], $0xffff;
	_ =	sdelay $0x1  }
0x8e: {  	v4 =	vld [tilespmem:$0x30B0]  }
0x8f: {  	v5 =	vld [tilespmem:$0x3030];
	_ =	sdelay $0x1  }
0x90: {  	v0 =	vmul.f32 v0, v2  }
0x91: {  	v1 =	vmul.f32 v1, v3;
	_ =	sdelay $0x1  }
0x92: {  	v0 =	vadd.f32 v1, v0;
	v1 =	vld [tilespmem:$0x31B0]  }
0x93: {  	v2 =	vld [tilespmem:$0x3130]  }
0x94: {  	[tilespmem:$0x3220] =	vst v0  }
0x95: {  	v0 =	vld.idx.msk [tilespmem:v5+s2+$0x0], $0xffff  }
0x96: {  	v3 =	vld.idx.msk [tilespmem:v4+s2+$0x0], $0xffff;
	_ =	sdelay $0x1  }
0x97: {  	v4 =	vld [tilespmem:$0x30C0]  }
0x98: {  	v5 =	vld [tilespmem:$0x3040];
	_ =	sdelay $0x1  }
0x99: {  	v0 =	vmul.f32 v2, v0  }
0x9a: {  	v1 =	vmul.f32 v1, v3  }
0x9b: {  	v2 =	vld [tilespmem:$0x31C0]  }
0x9c: {  	v0 =	vadd.f32 v1, v0;
	v1 =	vld [tilespmem:$0x3140];
	_ =	sdelay $0x1  }
0x9d: {  	[tilespmem:$0x3230] =	vst v0  }
0x9e: {  	v0 =	vld.idx.msk [tilespmem:v5+s2+$0x0], $0xffff  }
0x9f: {  	v3 =	vld.idx.msk [tilespmem:v4+s2+$0x0], $0xffff;
	_ =	sdelay $0x1  }
0xa0: {  	v4 =	vld [tilespmem:$0x30D0]  }
0xa1: {  	v5 =	vld [tilespmem:$0x3050];
	_ =	sdelay $0x1  }
0xa2: {  	v0 =	vmul.f32 v1, v0  }
0xa3: {  	v1 =	vmul.f32 v2, v3;
	v2 =	vld [tilespmem:$0x31D0]  }
0xa4: {  	v3 =	vld [tilespmem:$0x3150]  }
0xa5: {  	v0 =	vadd.f32 v1, v0;
	_ =	sdelay $0x1  }
0xa6: {  	[tilespmem:$0x3240] =	vst v0  }
0xa7: {  	v0 =	vld.idx.msk [tilespmem:v5+s2+$0x0], $0xffff  }
0xa8: {  	v1 =	vld.idx.msk [tilespmem:v4+s2+$0x0], $0xffff;
	_ =	sdelay $0x1  }
0xa9: {  	v4 =	vld [tilespmem:$0x30E0]  }
0xaa: {  	v5 =	vld [tilespmem:$0x3060];
	_ =	sdelay $0x1  }
0xab: {  	v0 =	vmul.f32 v3, v0;
	v3 =	vld [tilespmem:$0x31E0]  }
0xac: {  	v1 =	vmul.f32 v2, v1;
	v2 =	vld [tilespmem:$0x3160];
	_ =	sdelay $0x1  }
0xad: {  	v0 =	vadd.f32 v1, v0;
	_ =	sdelay $0x1  }
0xae: {  	[tilespmem:$0x3250] =	vst v0  }
0xaf: {  	v1 =	vld.idx.msk [tilespmem:v5+s2+$0x0], $0xffff  }
0xb0: {  	v4 =	vld.idx.msk [tilespmem:v4+s2+$0x0], $0xffff;
	_ =	sdelay $0x1  }
0xb1: {  	v5 =	vld [tilespmem:$0x30F0]  }
0xb2: {  	v6 =	vld [tilespmem:$0x3070]  }
0xb3: {  	v0 =	vld [tilespmem:$0x31F0]  }
0xb4: {  	v1 =	vmul.f32 v2, v1;
	v2 =	vld [tilespmem:$0x3170]  }
0xb5: {  	v3 =	vmul.f32 v3, v4;
	_ =	sdelay $0x1  }
0xb6: {  	v1 =	vadd.f32 v3, v1;
	_ =	sdelay $0x1  }
0xb7: {  	[tilespmem:$0x3260] =	vst v1  }
0xb8: {  	v3 =	vld.idx.msk [tilespmem:v6+s2+$0x0], $0xffff  }
0xb9: {  	v1 =	vld.idx.msk [tilespmem:v5+s2+$0x0], $0xffff  }
.Ltmp1:
0xba: {  	(pc) =	sbr.rel @p0 .LBB2_1-.Ltmp1, $2  }
0xbb: {  	_ =	sdelay $0x2  }
0xbc: {  	v2 =	vmul.f32 v2, v3  }
.LBB2_2:
0xbd: {  	v0 =	vmul.f32 v0, v1;
	_ =	sdelay $0x1  }
0xbe: {  	v0 =	vadd.f32 v0, v2;
	_ =	sdelay $0x1  }
0xbf: {  	[tilespmem:$0x3270] =	vst v0  }
0xc0: {  	[hbm4b:s13+s2] =	stream.linear.scatter [tilespmem:s14], [sflag:$0x1], $0x80, $0x38;
	[tilespmem:$0x3280] =	vst v63  }
0xc1: {  	_ =	swait.ge [sflag:s3], $0x80  }
0xc2: {  	[sflag:s3] =	ssyncset.done $0x0  }
0xc3: {  	[sflag:s3] =	ssyncadd.s32 $0xFFFFFF80  }
0xc4: {  	_ =	sfence.sel $0x180000  }
0xc5: {  	[bflag:$0x0] =	sbarrier.arrive $0xFFFF  }
0xc6: {  	p0 =	sne.s32 s1, $0x0;
	_ =	strace $0x9000004A  }
0xc7: {  	s0 =	sadd.s32 @!p0 $0x100000, s0;
	[bflag:$0x2] =	sbarrier.arrive $0xFFFF  }
0xc8: {  	[sflag:s0] =	ssyncadd.tile.s32 @!p0 $0x1;
	_ =	shalt  }
.Lfunc_end2:
_tile_overlayer_lowered:
.L_overlay_start_2:
0xc9: {  	(tag) =	ssettag $0x2  }
0xca: {  	s0 =	rddreg [dreg:$0x0];
	s2 =	stileid.u32  }
0xcb: {  	s1 =	rddreg [dreg:$0x1];
	p0 =	sne.s32 s2, $0x0  }
0xcc: {  	s3 =	rddreg [dreg:$0x2];
	[bflag:$0x3] =	sbarrier.arrive $0xFFFF;
	s2 =	simm.s32 @!p0 $0x1C01  }
0xcd: {  	[timem:s3], [sflag:s2] =	dma.local @!p0 [hbm:s0], s1  }
0xce: {  	s0 =	simm.s32 @!p0 $0x1  }
0xcf: {  	_ =	swait.ge @!p0 [sflag:s0], s1  }
0xd0: {  	s1 =	ssub.s32 @!p0 $0x0, s1;
	[sflag:s0] =	ssyncset.done @!p0 $0x0  }
0xd1: {  	[sflag:s0] =	ssyncadd.s32 @!p0 s1  }
0xd2: {  	[bflag:$0x3] =	sbarrier.arrive $0xFFFF  }
0xd3: {  	_ =	shalt  }

</sc_bundles>
